<compile_context>
chip_gen: v7x
topology: tpu7x:2x2x1
jax: 0.10.2.dev20260603
libtpu: 0.0.44.dev20260713+nightly
codegen_flags: <defaults>
</compile_context>

<pallas_src>
import jax
import jax.numpy as jnp
from jax import lax
from jax.experimental import pallas as pl
from jax.experimental.pallas import tpu as pltpu
from jax.experimental.pallas import tpu_sc as plsc

_NC = 2
_NS = 16
_NW = _NC * _NS
_CB = 16
_SB = 4


def _compute_chunk(src, dst, tab, uv, bv, iv, cpos0, d):

    def sub_block(s, carry):
        base = s * (_SB * d)
        masks = []
        for r in range(_SB):
            p16 = jnp.full((16,), cpos0 + s * _SB + r, jnp.int32)
            masks.append((p16 < uv, p16 < bv, p16 < iv))

        @plsc.parallel_loop(0, d // 16, unroll=2)
        def _cols(k):
            off = k * 16
            t0k = tab[pl.ds(off, 16)]
            t1k = tab[pl.ds(d + off, 16)]
            t2k = tab[pl.ds(2 * d + off, 16)]
            for r in range(_SB):
                c1, c2, c3 = masks[r]
                e = jnp.where(c1, t0k, jnp.where(c2, t1k, jnp.where(c3, t0k, t2k)))
                o = base + r * d + off
                dst[pl.ds(o, 16)] = src[pl.ds(o, 16)] + e

        return carry

    lax.fori_loop(0, _CB // _SB, sub_block, 0)


def _make_sc_call(R, n, d):
    rows_pw = R // _NW
    nch = rows_pw // _CB
    mesh = plsc.VectorSubcoreMesh(
        core_axis_name="c", subcore_axis_name="s", num_cores=_NC, num_subcores=_NS
    )

    def body(x_hbm, emb_hbm, us_hbm, bs_hbm, is_hbm, out_hbm,
             ibuf0, ibuf1, obuf0, obuf1, tab, usv, bsv, isv,
             semi0, semi1, semo0, semo1):
        wid = lax.axis_index("s") * _NC + lax.axis_index("c")
        row0 = wid * rows_pw
        pos0 = lax.rem(row0, n)

        pltpu.sync_copy(emb_hbm, tab)
        pltpu.sync_copy(us_hbm, usv)
        pltpu.sync_copy(bs_hbm, bsv)
        pltpu.sync_copy(is_hbm, isv)
        uv = usv[...]
        bv = bsv[...]
        iv = isv[...]

        ibufs = (ibuf0, ibuf1)
        obufs = (obuf0, obuf1)
        semis = (semi0, semi1)
        semos = (semo0, semo1)

        def start_in(c, buf, sem):
            start = (row0 + c * _CB) * d
            return pltpu.async_copy(x_hbm.at[pl.ds(start, _CB * d)], buf, sem)

        def start_out(c, buf, sem):
            start = (row0 + c * _CB) * d
            return pltpu.async_copy(buf, out_hbm.at[pl.ds(start, _CB * d)], sem)

        def wait_in(c, buf, sem):
            start = (row0 + c * _CB) * d
            pltpu.make_async_copy(x_hbm.at[pl.ds(start, _CB * d)], buf, sem).wait()

        def wait_out(c, buf, sem):
            start = (row0 + c * _CB) * d
            pltpu.make_async_copy(buf, out_hbm.at[pl.ds(start, _CB * d)], sem).wait()

        start_in(0, ibufs[0], semis[0])
        start_in(1, ibufs[1], semis[1])

        def group(g, carry):
            for b in range(2):
                c = 2 * g + b
                wait_in(c, ibufs[b], semis[b])

                @pl.when(g >= 1)
                def _():
                    wait_out(c - 2, obufs[b], semos[b])

                _compute_chunk(ibufs[b], obufs[b], tab, uv, bv, iv,
                               pos0 + c * _CB, d)
                start_out(c, obufs[b], semos[b])

                @pl.when(g < nch // 2 - 1)
                def _():
                    start_in(c + 2, ibufs[b], semis[b])
            return carry

        lax.fori_loop(0, nch // 2, group, 0)
        wait_out(nch - 2, obufs[0], semos[0])
        wait_out(nch - 1, obufs[1], semos[1])

    return pl.kernel(
        body,
        out_type=jax.ShapeDtypeStruct((R * d,), jnp.float32),
        mesh=mesh,
        scratch_types=[
            pltpu.VMEM((_CB * d,), jnp.float32),
            pltpu.VMEM((_CB * d,), jnp.float32),
            pltpu.VMEM((_CB * d,), jnp.float32),
            pltpu.VMEM((_CB * d,), jnp.float32),
            pltpu.VMEM((3 * d,), jnp.float32),
            pltpu.VMEM((16,), jnp.int32),
            pltpu.VMEM((16,), jnp.int32),
            pltpu.VMEM((16,), jnp.int32),
            pltpu.SemaphoreType.DMA,
            pltpu.SemaphoreType.DMA,
            pltpu.SemaphoreType.DMA,
            pltpu.SemaphoreType.DMA,
        ],
    )


def kernel(x, emb_table, seq_len, front, back, keyframe_gap):
    batch, n, d = x.shape
    R = batch * n
    seq_len = jnp.asarray(seq_len, jnp.int32)
    front = jnp.asarray(front, jnp.int32)
    back = jnp.asarray(back, jnp.int32)
    keyframe_gap = jnp.asarray(keyframe_gap, jnp.int32)
    ignored_len = seq_len - front - back - keyframe_gap
    us16 = jnp.full((16,), front, jnp.int32)
    bs16 = jnp.full((16,), front + keyframe_gap, jnp.int32)
    is16 = jnp.full((16,), seq_len - ignored_len, jnp.int32)

    x_flat = x.reshape(R * d)
    emb_flat = emb_table.reshape(3 * d)
    out = _make_sc_call(R, n, d)(x_flat, emb_flat, us16, bs16, is16)
    return out.reshape(batch, n, d)

# --- scband reference (transcript-rebuilt; emitter-appended) ---
"""Pipeline reference for scband-keyframe-encoding-17308718203153 (READ-ONLY COPY).

The authoritative reference and input builder live on the scoring server;
editing this copy changes nothing except your own understanding.
"""

import jax, jax.numpy as jnp
import numpy as np

D_MODEL = 1024
BATCH = 4
SEQ_LEN = 2048

def setup_inputs(seed: int = 0) -> dict:
    key = jax.random.key(seed)
    k1, k2 = jax.random.split(key)
    x = jax.random.normal(k1, (BATCH, SEQ_LEN, D_MODEL), dtype=jnp.float32)
    emb_table = jax.random.normal(k2, (3, D_MODEL), dtype=jnp.float32)
    return {"x": x, "emb_table": emb_table, "seq_len": SEQ_LEN, "front": 10, "back": 10, "keyframe_gap": 30}

def reference(x, emb_table, seq_len, front, back, keyframe_gap):
    # embedding(index_tensor[0]) has shape [1, d_model]; torch.tile((n,1)) -> [n, d_model]
    n = x.shape[1]
    pos = jnp.arange(n)
    ignored_len = seq_len - front - back - keyframe_gap
    unknown_start = front
    back_start = front + keyframe_gap
    ignored_start = seq_len - ignored_len
    frame_idx = jnp.where(
        pos < unknown_start,
        0,
        jnp.where(
            pos < back_start,
            1,
            jnp.where(pos < ignored_start, 0, 2),
        ),
    )
    keyframe_embedding = jnp.take(emb_table, frame_idx, axis=0)
    return x + keyframe_embedding

if __name__ == "__main__":
    import jax
    _d = setup_inputs()
    print(jax.jit(kernel)(*tuple(_d.values())))

</pallas_src>

<mosaic_0001>
#map = affine_map<(d0, d1) -> (0)>
module attributes {stable_mosaic.version = 14 : i64} {
  func.func @body(%arg0: i32, %arg1: i32, %arg2: memref<8388608xf32, #tpu.memory_space<hbm>>, %arg3: memref<3072xf32, #tpu.memory_space<hbm>>, %arg4: memref<16xi32, #tpu.memory_space<hbm>>, %arg5: memref<16xi32, #tpu.memory_space<hbm>>, %arg6: memref<16xi32, #tpu.memory_space<hbm>>, %arg7: memref<8388608xf32, #tpu.memory_space<hbm>>, %arg8: memref<16384xf32, #tpu.memory_space<vmem>>, %arg9: memref<16384xf32, #tpu.memory_space<vmem>>, %arg10: memref<16384xf32, #tpu.memory_space<vmem>>, %arg11: memref<16384xf32, #tpu.memory_space<vmem>>, %arg12: memref<3072xf32, #tpu.memory_space<vmem>>, %arg13: memref<16xi32, #tpu.memory_space<vmem>>, %arg14: memref<16xi32, #tpu.memory_space<vmem>>, %arg15: memref<16xi32, #tpu.memory_space<vmem>>, %arg16: memref<!tpu.dma_semaphore, #tpu.memory_space<semaphore_mem>>, %arg17: memref<!tpu.dma_semaphore, #tpu.memory_space<semaphore_mem>>, %arg18: memref<!tpu.dma_semaphore, #tpu.memory_space<semaphore_mem>>, %arg19: memref<!tpu.dma_semaphore, #tpu.memory_space<semaphore_mem>>) attributes {dimension_semantics = [#tpu.dimension_semantics<core_parallel>, #tpu.dimension_semantics<subcore_parallel>], iteration_bounds = array<i64: 2, 16>, scalar_prefetch = 0 : i64, scratch_operands = 12 : i64, tpu.core_type = #tpu.core_type<sc_vector_subcore>, window_params = [{transform_indices = #map}, {transform_indices = #map}, {transform_indices = #map}, {transform_indices = #map}, {transform_indices = #map}, {transform_indices = #map}]} {
    %mul3A = arith.constant 2 : i32
    %mul3A_0 = arith.muli %arg1, %mul3A : i32
    %add3A = arith.addi %mul3A_0, %arg0 : i32
    %mul3A_1 = arith.constant 256 : i32
    %mul3A_2 = arith.muli %add3A, %mul3A_1 : i32
    %rem3A = arith.constant 2048 : i32
    %rem3A_3 = arith.remsi %mul3A_2, %rem3A : i32
    "tpu.region"() ({
      %run_scoped3A = tpu.sem_alloc : memref<!tpu.dma_semaphore, #tpu.memory_space<semaphore_mem>>
      tpu.enqueue_dma source(%arg3 : memref<3072xf32, #tpu.memory_space<hbm>>) target(%arg12 : memref<3072xf32, #tpu.memory_space<vmem>>) target_semaphore(%run_scoped3A : memref<!tpu.dma_semaphore, #tpu.memory_space<semaphore_mem>>)
      tpu.wait_dma2 semaphore(%run_scoped3A : memref<!tpu.dma_semaphore, #tpu.memory_space<semaphore_mem>>) src(%arg3 : memref<3072xf32, #tpu.memory_space<hbm>>) dst(%arg12 : memref<3072xf32, #tpu.memory_space<vmem>>)
      tpu.yield
    }) : () -> ()
    "tpu.region"() ({
      %run_scoped3A = tpu.sem_alloc : memref<!tpu.dma_semaphore, #tpu.memory_space<semaphore_mem>>
      tpu.enqueue_dma source(%arg4 : memref<16xi32, #tpu.memory_space<hbm>>) target(%arg13 : memref<16xi32, #tpu.memory_space<vmem>>) target_semaphore(%run_scoped3A : memref<!tpu.dma_semaphore, #tpu.memory_space<semaphore_mem>>)
      tpu.wait_dma2 semaphore(%run_scoped3A : memref<!tpu.dma_semaphore, #tpu.memory_space<semaphore_mem>>) src(%arg4 : memref<16xi32, #tpu.memory_space<hbm>>) dst(%arg13 : memref<16xi32, #tpu.memory_space<vmem>>)
      tpu.yield
    }) : () -> ()
    "tpu.region"() ({
      %run_scoped3A = tpu.sem_alloc : memref<!tpu.dma_semaphore, #tpu.memory_space<semaphore_mem>>
      tpu.enqueue_dma source(%arg5 : memref<16xi32, #tpu.memory_space<hbm>>) target(%arg14 : memref<16xi32, #tpu.memory_space<vmem>>) target_semaphore(%run_scoped3A : memref<!tpu.dma_semaphore, #tpu.memory_space<semaphore_mem>>)
      tpu.wait_dma2 semaphore(%run_scoped3A : memref<!tpu.dma_semaphore, #tpu.memory_space<semaphore_mem>>) src(%arg5 : memref<16xi32, #tpu.memory_space<hbm>>) dst(%arg14 : memref<16xi32, #tpu.memory_space<vmem>>)
      tpu.yield
    }) : () -> ()
    "tpu.region"() ({
      %run_scoped3A = tpu.sem_alloc : memref<!tpu.dma_semaphore, #tpu.memory_space<semaphore_mem>>
      tpu.enqueue_dma source(%arg6 : memref<16xi32, #tpu.memory_space<hbm>>) target(%arg15 : memref<16xi32, #tpu.memory_space<vmem>>) target_semaphore(%run_scoped3A : memref<!tpu.dma_semaphore, #tpu.memory_space<semaphore_mem>>)
      tpu.wait_dma2 semaphore(%run_scoped3A : memref<!tpu.dma_semaphore, #tpu.memory_space<semaphore_mem>>) src(%arg6 : memref<16xi32, #tpu.memory_space<hbm>>) dst(%arg15 : memref<16xi32, #tpu.memory_space<vmem>>)
      tpu.yield
    }) : () -> ()
    %get3A = arith.constant 0 : index
    %get3A_4 = tpu.vector_load %arg13[%get3A] {strides = array<i32>} : memref<16xi32, #tpu.memory_space<vmem>>, vector<16xi32>,
    %get3A_5 = vector.shape_cast %get3A_4 : vector<16xi32> to vector<16xi32>
    %get3A_6 = arith.constant 0 : index
    %get3A_7 = tpu.vector_load %arg14[%get3A_6] {strides = array<i32>} : memref<16xi32, #tpu.memory_space<vmem>>, vector<16xi32>,
    %get3A_8 = vector.shape_cast %get3A_7 : vector<16xi32> to vector<16xi32>
    %get3A_9 = arith.constant 0 : index
    %get3A_10 = tpu.vector_load %arg15[%get3A_9] {strides = array<i32>} : memref<16xi32, #tpu.memory_space<vmem>>, vector<16xi32>,
    %get3A_11 = vector.shape_cast %get3A_10 : vector<16xi32> to vector<16xi32>
    %add3A_12 = arith.constant 0 : i32
    %add3A_13 = arith.addi %mul3A_2, %add3A_12 : i32
    %mul3A_14 = arith.constant 1024 : i32
    %mul3A_15 = arith.muli %add3A_13, %mul3A_14 : i32
    %dma_start3A = tpu.memref_slice %arg2[%mul3A_15] : memref<8388608xf32, #tpu.memory_space<hbm>> -> memref<16384xf32, #tpu.memory_space<hbm>>
    %dma_start3A_16 = tpu.memref_slice %arg2[%mul3A_15] : memref<8388608xf32, #tpu.memory_space<hbm>> -> memref<16384xf32, #tpu.memory_space<hbm>>
    tpu.enqueue_dma source(%dma_start3A_16 : memref<16384xf32, #tpu.memory_space<hbm>>) target(%arg8 : memref<16384xf32, #tpu.memory_space<vmem>>) target_semaphore(%arg16 : memref<!tpu.dma_semaphore, #tpu.memory_space<semaphore_mem>>)
    %add3A_17 = arith.constant 16 : i32
    %add3A_18 = arith.addi %mul3A_2, %add3A_17 : i32
    %mul3A_19 = arith.constant 1024 : i32
    %mul3A_20 = arith.muli %add3A_18, %mul3A_19 : i32
    %dma_start3A_21 = tpu.memref_slice %arg2[%mul3A_20] : memref<8388608xf32, #tpu.memory_space<hbm>> -> memref<16384xf32, #tpu.memory_space<hbm>>
    %dma_start3A_22 = tpu.memref_slice %arg2[%mul3A_20] : memref<8388608xf32, #tpu.memory_space<hbm>> -> memref<16384xf32, #tpu.memory_space<hbm>>
    tpu.enqueue_dma source(%dma_start3A_22 : memref<16384xf32, #tpu.memory_space<hbm>>) target(%arg9 : memref<16384xf32, #tpu.memory_space<vmem>>) target_semaphore(%arg17 : memref<!tpu.dma_semaphore, #tpu.memory_space<semaphore_mem>>)
    %scan3A = arith.constant 0 : i32
    %scan3A_23 = arith.constant 0 : i32
    %scan3A_24 = arith.constant 8 : i32
    %scan3A_25 = arith.addi %scan3A_23, %scan3A_24 : i32
    %scan3A_26 = arith.constant 1 : i32
    scf.for %scan3A_39 = %scan3A_23 to %scan3A_25 step %scan3A_26  : i32 {
      %mul3A_40 = arith.constant 2 : i32
      %mul3A_41 = arith.muli %mul3A_40, %scan3A_39 : i32
      %add3A_42 = arith.constant 0 : i32
      %add3A_43 = arith.addi %mul3A_41, %add3A_42 : i32
      %mul3A_44 = arith.constant 16 : i32
      %mul3A_45 = arith.muli %add3A_43, %mul3A_44 : i32
      %add3A_46 = arith.addi %mul3A_2, %mul3A_45 : i32
      %mul3A_47 = arith.constant 1024 : i32
      %mul3A_48 = arith.muli %add3A_46, %mul3A_47 : i32
      %dma_wait3A_49 = tpu.memref_slice %arg2[%mul3A_48] : memref<8388608xf32, #tpu.memory_space<hbm>> -> memref<16384xf32, #tpu.memory_space<hbm>>
      %dma_wait3A_50 = tpu.memref_slice %arg2[%mul3A_48] : memref<8388608xf32, #tpu.memory_space<hbm>> -> memref<16384xf32, #tpu.memory_space<hbm>>
      tpu.wait_dma2 semaphore(%arg16 : memref<!tpu.dma_semaphore, #tpu.memory_space<semaphore_mem>>) src(%dma_wait3A_50 : memref<16384xf32, #tpu.memory_space<hbm>>) dst(%arg8 : memref<16384xf32, #tpu.memory_space<vmem>>)
      %ge3A = arith.constant 1 : i32
      %ge3A_51 = arith.cmpi sge, %scan3A_39, %ge3A : i32
      %convert_element_type3A = arith.extui %ge3A_51 : i1 to i32
      %cond3A = arith.constant 0 : i32
      %cond3A_52 = arith.cmpi ne, %convert_element_type3A, %cond3A : i32
      scf.if %cond3A_52 {
        %sub3A = arith.constant 2 : i32
        %sub3A_110 = arith.subi %add3A_43, %sub3A : i32
        %mul3A_111 = arith.constant 16 : i32
        %mul3A_112 = arith.muli %sub3A_110, %mul3A_111 : i32
        %add3A_113 = arith.addi %mul3A_2, %mul3A_112 : i32
        %mul3A_114 = arith.constant 1024 : i32
        %mul3A_115 = arith.muli %add3A_113, %mul3A_114 : i32
        %dma_wait3A_116 = tpu.memref_slice %arg7[%mul3A_115] : memref<8388608xf32, #tpu.memory_space<hbm>> -> memref<16384xf32, #tpu.memory_space<hbm>>
        %dma_wait3A_117 = tpu.memref_slice %arg7[%mul3A_115] : memref<8388608xf32, #tpu.memory_space<hbm>> -> memref<16384xf32, #tpu.memory_space<hbm>>
        tpu.wait_dma2 semaphore(%arg18 : memref<!tpu.dma_semaphore, #tpu.memory_space<semaphore_mem>>) src(%arg10 : memref<16384xf32, #tpu.memory_space<vmem>>) dst(%dma_wait3A_117 : memref<16384xf32, #tpu.memory_space<hbm>>)
      } else {
      }
      %mul3A_53 = arith.constant 16 : i32
      %mul3A_54 = arith.muli %add3A_43, %mul3A_53 : i32
      %add3A_55 = arith.addi %rem3A_3, %mul3A_54 : i32
      %scan3A_56 = arith.constant 0 : i32
      %scan3A_57 = arith.constant 0 : i32
      %scan3A_58 = arith.constant 4 : i32
      %scan3A_59 = arith.addi %scan3A_57, %scan3A_58 : i32
      %scan3A_60 = arith.constant 1 : i32
      scf.for %scan3A_110 = %scan3A_57 to %scan3A_59 step %scan3A_60  : i32 {
        %mul3A_111 = arith.constant 4096 : i32
        %mul3A_112 = arith.muli %scan3A_110, %mul3A_111 : i32
        %mul3A_113 = arith.constant 4 : i32
        %mul3A_114 = arith.muli %scan3A_110, %mul3A_113 : i32
        %add3A_115 = arith.addi %add3A_55, %mul3A_114 : i32
        %add3A_116 = arith.constant 0 : i32
        %add3A_117 = arith.addi %add3A_115, %add3A_116 : i32
        %broadcast_in_dim3A = vector.broadcast %add3A_117 : i32 to vector<16xi32>
        %lt3A_118 = arith.cmpi slt, %broadcast_in_dim3A, %get3A_5 : vector<16xi32>
        %lt3A_119 = arith.cmpi slt, %broadcast_in_dim3A, %get3A_8 : vector<16xi32>
        %lt3A_120 = arith.cmpi slt, %broadcast_in_dim3A, %get3A_11 : vector<16xi32>
        %mul3A_121 = arith.constant 4 : i32
        %mul3A_122 = arith.muli %scan3A_110, %mul3A_121 : i32
        %add3A_123 = arith.addi %add3A_55, %mul3A_122 : i32
        %add3A_124 = arith.constant 1 : i32
        %add3A_125 = arith.addi %add3A_123, %add3A_124 : i32
        %broadcast_in_dim3A_126 = vector.broadcast %add3A_125 : i32 to vector<16xi32>
        %lt3A_127 = arith.cmpi slt, %broadcast_in_dim3A_126, %get3A_5 : vector<16xi32>
        %lt3A_128 = arith.cmpi slt, %broadcast_in_dim3A_126, %get3A_8 : vector<16xi32>
        %lt3A_129 = arith.cmpi slt, %broadcast_in_dim3A_126, %get3A_11 : vector<16xi32>
        %mul3A_130 = arith.constant 4 : i32
        %mul3A_131 = arith.muli %scan3A_110, %mul3A_130 : i32
        %add3A_132 = arith.addi %add3A_55, %mul3A_131 : i32
        %add3A_133 = arith.constant 2 : i32
        %add3A_134 = arith.addi %add3A_132, %add3A_133 : i32
        %broadcast_in_dim3A_135 = vector.broadcast %add3A_134 : i32 to vector<16xi32>
        %lt3A_136 = arith.cmpi slt, %broadcast_in_dim3A_135, %get3A_5 : vector<16xi32>
        %lt3A_137 = arith.cmpi slt, %broadcast_in_dim3A_135, %get3A_8 : vector<16xi32>
        %lt3A_138 = arith.cmpi slt, %broadcast_in_dim3A_135, %get3A_11 : vector<16xi32>
        %mul3A_139 = arith.constant 4 : i32
        %mul3A_140 = arith.muli %scan3A_110, %mul3A_139 : i32
        %add3A_141 = arith.addi %add3A_55, %mul3A_140 : i32
        %add3A_142 = arith.constant 3 : i32
        %add3A_143 = arith.addi %add3A_141, %add3A_142 : i32
        %broadcast_in_dim3A_144 = vector.broadcast %add3A_143 : i32 to vector<16xi32>
        %lt3A_145 = arith.cmpi slt, %broadcast_in_dim3A_144, %get3A_5 : vector<16xi32>
        %lt3A_146 = arith.cmpi slt, %broadcast_in_dim3A_144, %get3A_8 : vector<16xi32>
        %lt3A_147 = arith.cmpi slt, %broadcast_in_dim3A_144, %get3A_11 : vector<16xi32>
        %parallel_loop3A = arith.constant 0 : i32
        %parallel_loop3A_148 = arith.constant 64 : i32
        %parallel_loop3A_149 = arith.constant 1 : i32
        scf.for %parallel_loop3A_150 = %parallel_loop3A to %parallel_loop3A_148 step %parallel_loop3A_149  : i32 {
          %parallel_loop3A_151 = arith.constant 16 : i32
          %parallel_loop3A_152 = arith.muli %parallel_loop3A_150, %parallel_loop3A_151 : i32
          %parallel_loop3A_153 = arith.index_cast %parallel_loop3A_152 : i32 to index
          %parallel_loop3A_154 = tpu.vector_load %arg12[%parallel_loop3A_153] {strides = array<i32>} : memref<3072xf32, #tpu.memory_space<vmem>>, vector<16xf32>,
          %parallel_loop3A_155 = vector.shape_cast %parallel_loop3A_154 : vector<16xf32> to vector<16xf32>
          %parallel_loop3A_156 = arith.constant 1024 : i32
          %parallel_loop3A_157 = arith.addi %parallel_loop3A_156, %parallel_loop3A_152 : i32
          %parallel_loop3A_158 = arith.index_cast %parallel_loop3A_157 : i32 to index
          %parallel_loop3A_159 = tpu.vector_load %arg12[%parallel_loop3A_158] {strides = array<i32>} : memref<3072xf32, #tpu.memory_space<vmem>>, vector<16xf32>,
          %parallel_loop3A_160 = vector.shape_cast %parallel_loop3A_159 : vector<16xf32> to vector<16xf32>
          %parallel_loop3A_161 = arith.constant 2048 : i32
          %parallel_loop3A_162 = arith.addi %parallel_loop3A_161, %parallel_loop3A_152 : i32
          %parallel_loop3A_163 = arith.index_cast %parallel_loop3A_162 : i32 to index
          %parallel_loop3A_164 = tpu.vector_load %arg12[%parallel_loop3A_163] {strides = array<i32>} : memref<3072xf32, #tpu.memory_space<vmem>>, vector<16xf32>,
          %parallel_loop3A_165 = vector.shape_cast %parallel_loop3A_164 : vector<16xf32> to vector<16xf32>
          %parallel_loop3A_166 = arith.select %lt3A_120, %parallel_loop3A_155, %parallel_loop3A_165 : vector<16xi1>, vector<16xf32>
          %parallel_loop3A_167 = arith.select %lt3A_119, %parallel_loop3A_160, %parallel_loop3A_166 : vector<16xi1>, vector<16xf32>
          %parallel_loop3A_168 = arith.select %lt3A_118, %parallel_loop3A_155, %parallel_loop3A_167 : vector<16xi1>, vector<16xf32>
          %parallel_loop3A_169 = arith.constant 0 : i32
          %parallel_loop3A_170 = arith.addi %mul3A_112, %parallel_loop3A_169 : i32
          %parallel_loop3A_171 = arith.addi %parallel_loop3A_170, %parallel_loop3A_152 : i32
          %parallel_loop3A_172 = arith.index_cast %parallel_loop3A_171 : i32 to index
          %parallel_loop3A_173 = tpu.vector_load %arg8[%parallel_loop3A_172] {strides = array<i32>} : memref<16384xf32, #tpu.memory_space<vmem>>, vector<16xf32>,
          %parallel_loop3A_174 = vector.shape_cast %parallel_loop3A_173 : vector<16xf32> to vector<16xf32>
          %parallel_loop3A_175 = arith.addf %parallel_loop3A_174, %parallel_loop3A_168 : vector<16xf32>
          %parallel_loop3A_176 = arith.index_cast %parallel_loop3A_171 : i32 to index
          %parallel_loop3A_177 = tpu.vector_load %arg10[%parallel_loop3A_176] {strides = array<i32>} : memref<16384xf32, #tpu.memory_space<vmem>>, vector<16xf32>,
          %parallel_loop3A_178 = vector.shape_cast %parallel_loop3A_177 : vector<16xf32> to vector<16xf32>
          %parallel_loop3A_179 = vector.shape_cast %parallel_loop3A_175 : vector<16xf32> to vector<16xf32>
          tpu.vector_store %arg10[%parallel_loop3A_176], %parallel_loop3A_179 {strides = array<i32>} : memref<16384xf32, #tpu.memory_space<vmem>>, vector<16xf32>,
          %parallel_loop3A_180 = arith.select %lt3A_129, %parallel_loop3A_155, %parallel_loop3A_165 : vector<16xi1>, vector<16xf32>
          %parallel_loop3A_181 = arith.select %lt3A_128, %parallel_loop3A_160, %parallel_loop3A_180 : vector<16xi1>, vector<16xf32>
          %parallel_loop3A_182 = arith.select %lt3A_127, %parallel_loop3A_155, %parallel_loop3A_181 : vector<16xi1>, vector<16xf32>
          %parallel_loop3A_183 = arith.constant 1024 : i32
          %parallel_loop3A_184 = arith.addi %mul3A_112, %parallel_loop3A_183 : i32
          %parallel_loop3A_185 = arith.addi %parallel_loop3A_184, %parallel_loop3A_152 : i32
          %parallel_loop3A_186 = arith.index_cast %parallel_loop3A_185 : i32 to index
          %parallel_loop3A_187 = tpu.vector_load %arg8[%parallel_loop3A_186] {strides = array<i32>} : memref<16384xf32, #tpu.memory_space<vmem>>, vector<16xf32>,
          %parallel_loop3A_188 = vector.shape_cast %parallel_loop3A_187 : vector<16xf32> to vector<16xf32>
          %parallel_loop3A_189 = arith.addf %parallel_loop3A_188, %parallel_loop3A_182 : vector<16xf32>
          %parallel_loop3A_190 = arith.index_cast %parallel_loop3A_185 : i32 to index
          %parallel_loop3A_191 = tpu.vector_load %arg10[%parallel_loop3A_190] {strides = array<i32>} : memref<16384xf32, #tpu.memory_space<vmem>>, vector<16xf32>,
          %parallel_loop3A_192 = vector.shape_cast %parallel_loop3A_191 : vector<16xf32> to vector<16xf32>
          %parallel_loop3A_193 = vector.shape_cast %parallel_loop3A_189 : vector<16xf32> to vector<16xf32>
          tpu.vector_store %arg10[%parallel_loop3A_190], %parallel_loop3A_193 {strides = array<i32>} : memref<16384xf32, #tpu.memory_space<vmem>>, vector<16xf32>,
          %parallel_loop3A_194 = arith.select %lt3A_138, %parallel_loop3A_155, %parallel_loop3A_165 : vector<16xi1>, vector<16xf32>
          %parallel_loop3A_195 = arith.select %lt3A_137, %parallel_loop3A_160, %parallel_loop3A_194 : vector<16xi1>, vector<16xf32>
          %parallel_loop3A_196 = arith.select %lt3A_136, %parallel_loop3A_155, %parallel_loop3A_195 : vector<16xi1>, vector<16xf32>
          %parallel_loop3A_197 = arith.constant 2048 : i32
          %parallel_loop3A_198 = arith.addi %mul3A_112, %parallel_loop3A_197 : i32
          %parallel_loop3A_199 = arith.addi %parallel_loop3A_198, %parallel_loop3A_152 : i32
          %parallel_loop3A_200 = arith.index_cast %parallel_loop3A_199 : i32 to index
          %parallel_loop3A_201 = tpu.vector_load %arg8[%parallel_loop3A_200] {strides = array<i32>} : memref<16384xf32, #tpu.memory_space<vmem>>, vector<16xf32>,
          %parallel_loop3A_202 = vector.shape_cast %parallel_loop3A_201 : vector<16xf32> to vector<16xf32>
          %parallel_loop3A_203 = arith.addf %parallel_loop3A_202, %parallel_loop3A_196 : vector<16xf32>
          %parallel_loop3A_204 = arith.index_cast %parallel_loop3A_199 : i32 to index
          %parallel_loop3A_205 = tpu.vector_load %arg10[%parallel_loop3A_204] {strides = array<i32>} : memref<16384xf32, #tpu.memory_space<vmem>>, vector<16xf32>,
          %parallel_loop3A_206 = vector.shape_cast %parallel_loop3A_205 : vector<16xf32> to vector<16xf32>
          %parallel_loop3A_207 = vector.shape_cast %parallel_loop3A_203 : vector<16xf32> to vector<16xf32>
          tpu.vector_store %arg10[%parallel_loop3A_204], %parallel_loop3A_207 {strides = array<i32>} : memref<16384xf32, #tpu.memory_space<vmem>>, vector<16xf32>,
          %parallel_loop3A_208 = arith.select %lt3A_147, %parallel_loop3A_155, %parallel_loop3A_165 : vector<16xi1>, vector<16xf32>
          %parallel_loop3A_209 = arith.select %lt3A_146, %parallel_loop3A_160, %parallel_loop3A_208 : vector<16xi1>, vector<16xf32>
          %parallel_loop3A_210 = arith.select %lt3A_145, %parallel_loop3A_155, %parallel_loop3A_209 : vector<16xi1>, vector<16xf32>
          %parallel_loop3A_211 = arith.constant 3072 : i32
          %parallel_loop3A_212 = arith.addi %mul3A_112, %parallel_loop3A_211 : i32
          %parallel_loop3A_213 = arith.addi %parallel_loop3A_212, %parallel_loop3A_152 : i32
          %parallel_loop3A_214 = arith.index_cast %parallel_loop3A_213 : i32 to index
          %parallel_loop3A_215 = tpu.vector_load %arg8[%parallel_loop3A_214] {strides = array<i32>} : memref<16384xf32, #tpu.memory_space<vmem>>, vector<16xf32>,
          %parallel_loop3A_216 = vector.shape_cast %parallel_loop3A_215 : vector<16xf32> to vector<16xf32>
          %parallel_loop3A_217 = arith.addf %parallel_loop3A_216, %parallel_loop3A_210 : vector<16xf32>
          %parallel_loop3A_218 = arith.index_cast %parallel_loop3A_213 : i32 to index
          %parallel_loop3A_219 = tpu.vector_load %arg10[%parallel_loop3A_218] {strides = array<i32>} : memref<16384xf32, #tpu.memory_space<vmem>>, vector<16xf32>,
          %parallel_loop3A_220 = vector.shape_cast %parallel_loop3A_219 : vector<16xf32> to vector<16xf32>
          %parallel_loop3A_221 = vector.shape_cast %parallel_loop3A_217 : vector<16xf32> to vector<16xf32>
          tpu.vector_store %arg10[%parallel_loop3A_218], %parallel_loop3A_221 {strides = array<i32>} : memref<16384xf32, #tpu.memory_space<vmem>>, vector<16xf32>,
        } {sc.loop_unroll_factor = 2 : i64, sc.parallel_access}
      }
      %scan3A_61 = arith.constant 4 : i32
      %mul3A_62 = arith.constant 16 : i32
      %mul3A_63 = arith.muli %add3A_43, %mul3A_62 : i32
      %add3A_64 = arith.addi %mul3A_2, %mul3A_63 : i32
      %mul3A_65 = arith.constant 1024 : i32
      %mul3A_66 = arith.muli %add3A_64, %mul3A_65 : i32
      %dma_start3A_67 = tpu.memref_slice %arg7[%mul3A_66] : memref<8388608xf32, #tpu.memory_space<hbm>> -> memref<16384xf32, #tpu.memory_space<hbm>>
      %dma_start3A_68 = tpu.memref_slice %arg7[%mul3A_66] : memref<8388608xf32, #tpu.memory_space<hbm>> -> memref<16384xf32, #tpu.memory_space<hbm>>
      tpu.enqueue_dma source(%arg10 : memref<16384xf32, #tpu.memory_space<vmem>>) target(%dma_start3A_68 : memref<16384xf32, #tpu.memory_space<hbm>>) target_semaphore(%arg18 : memref<!tpu.dma_semaphore, #tpu.memory_space<semaphore_mem>>)
      %lt3A = arith.constant 7 : i32
      %lt3A_69 = arith.cmpi slt, %scan3A_39, %lt3A : i32
      %convert_element_type3A_70 = arith.extui %lt3A_69 : i1 to i32
      %cond3A_71 = arith.constant 0 : i32
      %cond3A_72 = arith.cmpi ne, %convert_element_type3A_70, %cond3A_71 : i32
      scf.if %cond3A_72 {
        %add3A_110 = arith.constant 2 : i32
        %add3A_111 = arith.addi %add3A_43, %add3A_110 : i32
        %mul3A_112 = arith.constant 16 : i32
        %mul3A_113 = arith.muli %add3A_111, %mul3A_112 : i32
        %add3A_114 = arith.addi %mul3A_2, %mul3A_113 : i32
        %mul3A_115 = arith.constant 1024 : i32
        %mul3A_116 = arith.muli %add3A_114, %mul3A_115 : i32
        %dma_start3A_117 = tpu.memref_slice %arg2[%mul3A_116] : memref<8388608xf32, #tpu.memory_space<hbm>> -> memref<16384xf32, #tpu.memory_space<hbm>>
        %dma_start3A_118 = tpu.memref_slice %arg2[%mul3A_116] : memref<8388608xf32, #tpu.memory_space<hbm>> -> memref<16384xf32, #tpu.memory_space<hbm>>
        tpu.enqueue_dma source(%dma_start3A_118 : memref<16384xf32, #tpu.memory_space<hbm>>) target(%arg8 : memref<16384xf32, #tpu.memory_space<vmem>>) target_semaphore(%arg16 : memref<!tpu.dma_semaphore, #tpu.memory_space<semaphore_mem>>)
      } else {
      }
      %mul3A_73 = arith.constant 2 : i32
      %mul3A_74 = arith.muli %mul3A_73, %scan3A_39 : i32
      %add3A_75 = arith.constant 1 : i32
      %add3A_76 = arith.addi %mul3A_74, %add3A_75 : i32
      %mul3A_77 = arith.constant 16 : i32
      %mul3A_78 = arith.muli %add3A_76, %mul3A_77 : i32
      %add3A_79 = arith.addi %mul3A_2, %mul3A_78 : i32
      %mul3A_80 = arith.constant 1024 : i32
      %mul3A_81 = arith.muli %add3A_79, %mul3A_80 : i32
      %dma_wait3A_82 = tpu.memref_slice %arg2[%mul3A_81] : memref<8388608xf32, #tpu.memory_space<hbm>> -> memref<16384xf32, #tpu.memory_space<hbm>>
      %dma_wait3A_83 = tpu.memref_slice %arg2[%mul3A_81] : memref<8388608xf32, #tpu.memory_space<hbm>> -> memref<16384xf32, #tpu.memory_space<hbm>>
      tpu.wait_dma2 semaphore(%arg17 : memref<!tpu.dma_semaphore, #tpu.memory_space<semaphore_mem>>) src(%dma_wait3A_83 : memref<16384xf32, #tpu.memory_space<hbm>>) dst(%arg9 : memref<16384xf32, #tpu.memory_space<vmem>>)
      %ge3A_84 = arith.constant 1 : i32
      %ge3A_85 = arith.cmpi sge, %scan3A_39, %ge3A_84 : i32
      %convert_element_type3A_86 = arith.extui %ge3A_85 : i1 to i32
      %cond3A_87 = arith.constant 0 : i32
      %cond3A_88 = arith.cmpi ne, %convert_element_type3A_86, %cond3A_87 : i32
      scf.if %cond3A_88 {
        %sub3A = arith.constant 2 : i32
        %sub3A_110 = arith.subi %add3A_76, %sub3A : i32
        %mul3A_111 = arith.constant 16 : i32
        %mul3A_112 = arith.muli %sub3A_110, %mul3A_111 : i32
        %add3A_113 = arith.addi %mul3A_2, %mul3A_112 : i32
        %mul3A_114 = arith.constant 1024 : i32
        %mul3A_115 = arith.muli %add3A_113, %mul3A_114 : i32
        %dma_wait3A_116 = tpu.memref_slice %arg7[%mul3A_115] : memref<8388608xf32, #tpu.memory_space<hbm>> -> memref<16384xf32, #tpu.memory_space<hbm>>
        %dma_wait3A_117 = tpu.memref_slice %arg7[%mul3A_115] : memref<8388608xf32, #tpu.memory_space<hbm>> -> memref<16384xf32, #tpu.memory_space<hbm>>
        tpu.wait_dma2 semaphore(%arg19 : memref<!tpu.dma_semaphore, #tpu.memory_space<semaphore_mem>>) src(%arg11 : memref<16384xf32, #tpu.memory_space<vmem>>) dst(%dma_wait3A_117 : memref<16384xf32, #tpu.memory_space<hbm>>)
      } else {
      }
      %mul3A_89 = arith.constant 16 : i32
      %mul3A_90 = arith.muli %add3A_76, %mul3A_89 : i32
      %add3A_91 = arith.addi %rem3A_3, %mul3A_90 : i32
      %scan3A_92 = arith.constant 0 : i32
      %scan3A_93 = arith.constant 0 : i32
      %scan3A_94 = arith.constant 4 : i32
      %scan3A_95 = arith.addi %scan3A_93, %scan3A_94 : i32
      %scan3A_96 = arith.constant 1 : i32
      scf.for %scan3A_110 = %scan3A_93 to %scan3A_95 step %scan3A_96  : i32 {
        %mul3A_111 = arith.constant 4096 : i32
        %mul3A_112 = arith.muli %scan3A_110, %mul3A_111 : i32
        %mul3A_113 = arith.constant 4 : i32
        %mul3A_114 = arith.muli %scan3A_110, %mul3A_113 : i32
        %add3A_115 = arith.addi %add3A_91, %mul3A_114 : i32
        %add3A_116 = arith.constant 0 : i32
        %add3A_117 = arith.addi %add3A_115, %add3A_116 : i32
        %broadcast_in_dim3A = vector.broadcast %add3A_117 : i32 to vector<16xi32>
        %lt3A_118 = arith.cmpi slt, %broadcast_in_dim3A, %get3A_5 : vector<16xi32>
        %lt3A_119 = arith.cmpi slt, %broadcast_in_dim3A, %get3A_8 : vector<16xi32>
        %lt3A_120 = arith.cmpi slt, %broadcast_in_dim3A, %get3A_11 : vector<16xi32>
        %mul3A_121 = arith.constant 4 : i32
        %mul3A_122 = arith.muli %scan3A_110, %mul3A_121 : i32
        %add3A_123 = arith.addi %add3A_91, %mul3A_122 : i32
        %add3A_124 = arith.constant 1 : i32
        %add3A_125 = arith.addi %add3A_123, %add3A_124 : i32
        %broadcast_in_dim3A_126 = vector.broadcast %add3A_125 : i32 to vector<16xi32>
        %lt3A_127 = arith.cmpi slt, %broadcast_in_dim3A_126, %get3A_5 : vector<16xi32>
        %lt3A_128 = arith.cmpi slt, %broadcast_in_dim3A_126, %get3A_8 : vector<16xi32>
        %lt3A_129 = arith.cmpi slt, %broadcast_in_dim3A_126, %get3A_11 : vector<16xi32>
        %mul3A_130 = arith.constant 4 : i32
        %mul3A_131 = arith.muli %scan3A_110, %mul3A_130 : i32
        %add3A_132 = arith.addi %add3A_91, %mul3A_131 : i32
        %add3A_133 = arith.constant 2 : i32
        %add3A_134 = arith.addi %add3A_132, %add3A_133 : i32
        %broadcast_in_dim3A_135 = vector.broadcast %add3A_134 : i32 to vector<16xi32>
        %lt3A_136 = arith.cmpi slt, %broadcast_in_dim3A_135, %get3A_5 : vector<16xi32>
        %lt3A_137 = arith.cmpi slt, %broadcast_in_dim3A_135, %get3A_8 : vector<16xi32>
        %lt3A_138 = arith.cmpi slt, %broadcast_in_dim3A_135, %get3A_11 : vector<16xi32>
        %mul3A_139 = arith.constant 4 : i32
        %mul3A_140 = arith.muli %scan3A_110, %mul3A_139 : i32
        %add3A_141 = arith.addi %add3A_91, %mul3A_140 : i32
        %add3A_142 = arith.constant 3 : i32
        %add3A_143 = arith.addi %add3A_141, %add3A_142 : i32
        %broadcast_in_dim3A_144 = vector.broadcast %add3A_143 : i32 to vector<16xi32>
        %lt3A_145 = arith.cmpi slt, %broadcast_in_dim3A_144, %get3A_5 : vector<16xi32>
        %lt3A_146 = arith.cmpi slt, %broadcast_in_dim3A_144, %get3A_8 : vector<16xi32>
        %lt3A_147 = arith.cmpi slt, %broadcast_in_dim3A_144, %get3A_11 : vector<16xi32>
        %parallel_loop3A = arith.constant 0 : i32
        %parallel_loop3A_148 = arith.constant 64 : i32
        %parallel_loop3A_149 = arith.constant 1 : i32
        scf.for %parallel_loop3A_150 = %parallel_loop3A to %parallel_loop3A_148 step %parallel_loop3A_149  : i32 {
          %parallel_loop3A_151 = arith.constant 16 : i32
          %parallel_loop3A_152 = arith.muli %parallel_loop3A_150, %parallel_loop3A_151 : i32
          %parallel_loop3A_153 = arith.index_cast %parallel_loop3A_152 : i32 to index
          %parallel_loop3A_154 = tpu.vector_load %arg12[%parallel_loop3A_153] {strides = array<i32>} : memref<3072xf32, #tpu.memory_space<vmem>>, vector<16xf32>,
          %parallel_loop3A_155 = vector.shape_cast %parallel_loop3A_154 : vector<16xf32> to vector<16xf32>
          %parallel_loop3A_156 = arith.constant 1024 : i32
          %parallel_loop3A_157 = arith.addi %parallel_loop3A_156, %parallel_loop3A_152 : i32
          %parallel_loop3A_158 = arith.index_cast %parallel_loop3A_157 : i32 to index
          %parallel_loop3A_159 = tpu.vector_load %arg12[%parallel_loop3A_158] {strides = array<i32>} : memref<3072xf32, #tpu.memory_space<vmem>>, vector<16xf32>,
          %parallel_loop3A_160 = vector.shape_cast %parallel_loop3A_159 : vector<16xf32> to vector<16xf32>
          %parallel_loop3A_161 = arith.constant 2048 : i32
          %parallel_loop3A_162 = arith.addi %parallel_loop3A_161, %parallel_loop3A_152 : i32
          %parallel_loop3A_163 = arith.index_cast %parallel_loop3A_162 : i32 to index
          %parallel_loop3A_164 = tpu.vector_load %arg12[%parallel_loop3A_163] {strides = array<i32>} : memref<3072xf32, #tpu.memory_space<vmem>>, vector<16xf32>,
          %parallel_loop3A_165 = vector.shape_cast %parallel_loop3A_164 : vector<16xf32> to vector<16xf32>
          %parallel_loop3A_166 = arith.select %lt3A_120, %parallel_loop3A_155, %parallel_loop3A_165 : vector<16xi1>, vector<16xf32>
          %parallel_loop3A_167 = arith.select %lt3A_119, %parallel_loop3A_160, %parallel_loop3A_166 : vector<16xi1>, vector<16xf32>
          %parallel_loop3A_168 = arith.select %lt3A_118, %parallel_loop3A_155, %parallel_loop3A_167 : vector<16xi1>, vector<16xf32>
          %parallel_loop3A_169 = arith.constant 0 : i32
          %parallel_loop3A_170 = arith.addi %mul3A_112, %parallel_loop3A_169 : i32
          %parallel_loop3A_171 = arith.addi %parallel_loop3A_170, %parallel_loop3A_152 : i32
          %parallel_loop3A_172 = arith.index_cast %parallel_loop3A_171 : i32 to index
          %parallel_loop3A_173 = tpu.vector_load %arg9[%parallel_loop3A_172] {strides = array<i32>} : memref<16384xf32, #tpu.memory_space<vmem>>, vector<16xf32>,
          %parallel_loop3A_174 = vector.shape_cast %parallel_loop3A_173 : vector<16xf32> to vector<16xf32>
          %parallel_loop3A_175 = arith.addf %parallel_loop3A_174, %parallel_loop3A_168 : vector<16xf32>
          %parallel_loop3A_176 = arith.index_cast %parallel_loop3A_171 : i32 to index
          %parallel_loop3A_177 = tpu.vector_load %arg11[%parallel_loop3A_176] {strides = array<i32>} : memref<16384xf32, #tpu.memory_space<vmem>>, vector<16xf32>,
          %parallel_loop3A_178 = vector.shape_cast %parallel_loop3A_177 : vector<16xf32> to vector<16xf32>
          %parallel_loop3A_179 = vector.shape_cast %parallel_loop3A_175 : vector<16xf32> to vector<16xf32>
          tpu.vector_store %arg11[%parallel_loop3A_176], %parallel_loop3A_179 {strides = array<i32>} : memref<16384xf32, #tpu.memory_space<vmem>>, vector<16xf32>,
          %parallel_loop3A_180 = arith.select %lt3A_129, %parallel_loop3A_155, %parallel_loop3A_165 : vector<16xi1>, vector<16xf32>
          %parallel_loop3A_181 = arith.select %lt3A_128, %parallel_loop3A_160, %parallel_loop3A_180 : vector<16xi1>, vector<16xf32>
          %parallel_loop3A_182 = arith.select %lt3A_127, %parallel_loop3A_155, %parallel_loop3A_181 : vector<16xi1>, vector<16xf32>
          %parallel_loop3A_183 = arith.constant 1024 : i32
          %parallel_loop3A_184 = arith.addi %mul3A_112, %parallel_loop3A_183 : i32
          %parallel_loop3A_185 = arith.addi %parallel_loop3A_184, %parallel_loop3A_152 : i32
          %parallel_loop3A_186 = arith.index_cast %parallel_loop3A_185 : i32 to index
          %parallel_loop3A_187 = tpu.vector_load %arg9[%parallel_loop3A_186] {strides = array<i32>} : memref<16384xf32, #tpu.memory_space<vmem>>, vector<16xf32>,
          %parallel_loop3A_188 = vector.shape_cast %parallel_loop3A_187 : vector<16xf32> to vector<16xf32>
          %parallel_loop3A_189 = arith.addf %parallel_loop3A_188, %parallel_loop3A_182 : vector<16xf32>
          %parallel_loop3A_190 = arith.index_cast %parallel_loop3A_185 : i32 to index
          %parallel_loop3A_191 = tpu.vector_load %arg11[%parallel_loop3A_190] {strides = array<i32>} : memref<16384xf32, #tpu.memory_space<vmem>>, vector<16xf32>,
          %parallel_loop3A_192 = vector.shape_cast %parallel_loop3A_191 : vector<16xf32> to vector<16xf32>
          %parallel_loop3A_193 = vector.shape_cast %parallel_loop3A_189 : vector<16xf32> to vector<16xf32>
          tpu.vector_store %arg11[%parallel_loop3A_190], %parallel_loop3A_193 {strides = array<i32>} : memref<16384xf32, #tpu.memory_space<vmem>>, vector<16xf32>,
          %parallel_loop3A_194 = arith.select %lt3A_138, %parallel_loop3A_155, %parallel_loop3A_165 : vector<16xi1>, vector<16xf32>
          %parallel_loop3A_195 = arith.select %lt3A_137, %parallel_loop3A_160, %parallel_loop3A_194 : vector<16xi1>, vector<16xf32>
          %parallel_loop3A_196 = arith.select %lt3A_136, %parallel_loop3A_155, %parallel_loop3A_195 : vector<16xi1>, vector<16xf32>
          %parallel_loop3A_197 = arith.constant 2048 : i32
          %parallel_loop3A_198 = arith.addi %mul3A_112, %parallel_loop3A_197 : i32
          %parallel_loop3A_199 = arith.addi %parallel_loop3A_198, %parallel_loop3A_152 : i32
          %parallel_loop3A_200 = arith.index_cast %parallel_loop3A_199 : i32 to index
          %parallel_loop3A_201 = tpu.vector_load %arg9[%parallel_loop3A_200] {strides = array<i32>} : memref<16384xf32, #tpu.memory_space<vmem>>, vector<16xf32>,
          %parallel_loop3A_202 = vector.shape_cast %parallel_loop3A_201 : vector<16xf32> to vector<16xf32>
          %parallel_loop3A_203 = arith.addf %parallel_loop3A_202, %parallel_loop3A_196 : vector<16xf32>
          %parallel_loop3A_204 = arith.index_cast %parallel_loop3A_199 : i32 to index
          %parallel_loop3A_205 = tpu.vector_load %arg11[%parallel_loop3A_204] {strides = array<i32>} : memref<16384xf32, #tpu.memory_space<vmem>>, vector<16xf32>,
          %parallel_loop3A_206 = vector.shape_cast %parallel_loop3A_205 : vector<16xf32> to vector<16xf32>
          %parallel_loop3A_207 = vector.shape_cast %parallel_loop3A_203 : vector<16xf32> to vector<16xf32>
          tpu.vector_store %arg11[%parallel_loop3A_204], %parallel_loop3A_207 {strides = array<i32>} : memref<16384xf32, #tpu.memory_space<vmem>>, vector<16xf32>,
          %parallel_loop3A_208 = arith.select %lt3A_147, %parallel_loop3A_155, %parallel_loop3A_165 : vector<16xi1>, vector<16xf32>
          %parallel_loop3A_209 = arith.select %lt3A_146, %parallel_loop3A_160, %parallel_loop3A_208 : vector<16xi1>, vector<16xf32>
          %parallel_loop3A_210 = arith.select %lt3A_145, %parallel_loop3A_155, %parallel_loop3A_209 : vector<16xi1>, vector<16xf32>
          %parallel_loop3A_211 = arith.constant 3072 : i32
          %parallel_loop3A_212 = arith.addi %mul3A_112, %parallel_loop3A_211 : i32
          %parallel_loop3A_213 = arith.addi %parallel_loop3A_212, %parallel_loop3A_152 : i32
          %parallel_loop3A_214 = arith.index_cast %parallel_loop3A_213 : i32 to index
          %parallel_loop3A_215 = tpu.vector_load %arg9[%parallel_loop3A_214] {strides = array<i32>} : memref<16384xf32, #tpu.memory_space<vmem>>, vector<16xf32>,
          %parallel_loop3A_216 = vector.shape_cast %parallel_loop3A_215 : vector<16xf32> to vector<16xf32>
          %parallel_loop3A_217 = arith.addf %parallel_loop3A_216, %parallel_loop3A_210 : vector<16xf32>
          %parallel_loop3A_218 = arith.index_cast %parallel_loop3A_213 : i32 to index
          %parallel_loop3A_219 = tpu.vector_load %arg11[%parallel_loop3A_218] {strides = array<i32>} : memref<16384xf32, #tpu.memory_space<vmem>>, vector<16xf32>,
          %parallel_loop3A_220 = vector.shape_cast %parallel_loop3A_219 : vector<16xf32> to vector<16xf32>
          %parallel_loop3A_221 = vector.shape_cast %parallel_loop3A_217 : vector<16xf32> to vector<16xf32>
          tpu.vector_store %arg11[%parallel_loop3A_218], %parallel_loop3A_221 {strides = array<i32>} : memref<16384xf32, #tpu.memory_space<vmem>>, vector<16xf32>,
        } {sc.loop_unroll_factor = 2 : i64, sc.parallel_access}
      }
      %scan3A_97 = arith.constant 4 : i32
      %mul3A_98 = arith.constant 16 : i32
      %mul3A_99 = arith.muli %add3A_76, %mul3A_98 : i32
      %add3A_100 = arith.addi %mul3A_2, %mul3A_99 : i32
      %mul3A_101 = arith.constant 1024 : i32
      %mul3A_102 = arith.muli %add3A_100, %mul3A_101 : i32
      %dma_start3A_103 = tpu.memref_slice %arg7[%mul3A_102] : memref<8388608xf32, #tpu.memory_space<hbm>> -> memref<16384xf32, #tpu.memory_space<hbm>>
      %dma_start3A_104 = tpu.memref_slice %arg7[%mul3A_102] : memref<8388608xf32, #tpu.memory_space<hbm>> -> memref<16384xf32, #tpu.memory_space<hbm>>
      tpu.enqueue_dma source(%arg11 : memref<16384xf32, #tpu.memory_space<vmem>>) target(%dma_start3A_104 : memref<16384xf32, #tpu.memory_space<hbm>>) target_semaphore(%arg19 : memref<!tpu.dma_semaphore, #tpu.memory_space<semaphore_mem>>)
      %lt3A_105 = arith.constant 7 : i32
      %lt3A_106 = arith.cmpi slt, %scan3A_39, %lt3A_105 : i32
      %convert_element_type3A_107 = arith.extui %lt3A_106 : i1 to i32
      %cond3A_108 = arith.constant 0 : i32
      %cond3A_109 = arith.cmpi ne, %convert_element_type3A_107, %cond3A_108 : i32
      scf.if %cond3A_109 {
        %add3A_110 = arith.constant 2 : i32
        %add3A_111 = arith.addi %add3A_76, %add3A_110 : i32
        %mul3A_112 = arith.constant 16 : i32
        %mul3A_113 = arith.muli %add3A_111, %mul3A_112 : i32
        %add3A_114 = arith.addi %mul3A_2, %mul3A_113 : i32
        %mul3A_115 = arith.constant 1024 : i32
        %mul3A_116 = arith.muli %add3A_114, %mul3A_115 : i32
        %dma_start3A_117 = tpu.memref_slice %arg2[%mul3A_116] : memref<8388608xf32, #tpu.memory_space<hbm>> -> memref<16384xf32, #tpu.memory_space<hbm>>
        %dma_start3A_118 = tpu.memref_slice %arg2[%mul3A_116] : memref<8388608xf32, #tpu.memory_space<hbm>> -> memref<16384xf32, #tpu.memory_space<hbm>>
        tpu.enqueue_dma source(%dma_start3A_118 : memref<16384xf32, #tpu.memory_space<hbm>>) target(%arg9 : memref<16384xf32, #tpu.memory_space<vmem>>) target_semaphore(%arg17 : memref<!tpu.dma_semaphore, #tpu.memory_space<semaphore_mem>>)
      } else {
      }
    }
    %scan3A_27 = arith.constant 8 : i32
    %add3A_28 = arith.constant 224 : i32
    %add3A_29 = arith.addi %mul3A_2, %add3A_28 : i32
    %mul3A_30 = arith.constant 1024 : i32
    %mul3A_31 = arith.muli %add3A_29, %mul3A_30 : i32
    %dma_wait3A = tpu.memref_slice %arg7[%mul3A_31] : memref<8388608xf32, #tpu.memory_space<hbm>> -> memref<16384xf32, #tpu.memory_space<hbm>>
    %dma_wait3A_32 = tpu.memref_slice %arg7[%mul3A_31] : memref<8388608xf32, #tpu.memory_space<hbm>> -> memref<16384xf32, #tpu.memory_space<hbm>>
    tpu.wait_dma2 semaphore(%arg18 : memref<!tpu.dma_semaphore, #tpu.memory_space<semaphore_mem>>) src(%arg10 : memref<16384xf32, #tpu.memory_space<vmem>>) dst(%dma_wait3A_32 : memref<16384xf32, #tpu.memory_space<hbm>>)
    %add3A_33 = arith.constant 240 : i32
    %add3A_34 = arith.addi %mul3A_2, %add3A_33 : i32
    %mul3A_35 = arith.constant 1024 : i32
    %mul3A_36 = arith.muli %add3A_34, %mul3A_35 : i32
    %dma_wait3A_37 = tpu.memref_slice %arg7[%mul3A_36] : memref<8388608xf32, #tpu.memory_space<hbm>> -> memref<16384xf32, #tpu.memory_space<hbm>>
    %dma_wait3A_38 = tpu.memref_slice %arg7[%mul3A_36] : memref<8388608xf32, #tpu.memory_space<hbm>> -> memref<16384xf32, #tpu.memory_space<hbm>>
    tpu.wait_dma2 semaphore(%arg19 : memref<!tpu.dma_semaphore, #tpu.memory_space<semaphore_mem>>) src(%arg11 : memref<16384xf32, #tpu.memory_space<vmem>>) dst(%dma_wait3A_38 : memref<16384xf32, #tpu.memory_space<hbm>>)
    return
  }
}

</mosaic_0001>

<sc_bundles>
// kernel: kernel.3.cloned.1.call-start
scs
__scs_entry_jumppad:
0x0: {  	(pc) =	sbr.rel $0x88, $3  }
0x1: {  	(tag) =	ssettag $0x0;
	lr =	simm.s32 $0x1  }
0x2: {  	[smem:$0x3F9B] =	sst lr;
	_ =	strace $0xD0000000  }
0x3: {  	_ = 	snop  }
0x4: {  	_ = 	snop  }
0x5: {  	_ = 	snop  }
0x6: {  	_ = 	snop  }
0x7: {  	_ = 	snop  }
__scs_overlays_trampoline_lowered:
0x8: {  	[smem:$0x3FAA] =	sst s0  }
0x9: {  	[smem:$0x3FAB] =	sst s1  }
0xa: {  	[smem:$0x3FAC] =	sst s2  }
0xb: {  	[smem:$0x3FAD] =	sst s3  }
0xc: {  	[smem:$0x3FAE] =	sst s4  }
0xd: {  	[smem:$0x3FAF] =	sst s5  }
0xe: {  	[smem:$0x3FB0] =	sst s6  }
0xf: {  	[smem:$0x3FB1] =	sst s7  }
0x10: {  	[smem:$0x3FB2] =	sst s8  }
0x11: {  	[smem:$0x3FB3] =	sst s9;
	s0 =	simm.s32 @!p0 $0x0  }
0x12: {  	s1 =	sld [smem:$0x3F99];
	s0 =	simm.s32 @p0 $0x1  }
0x13: {  	[smem:$0x3FB4] =	sst s0;
	s0 =	simm.s32 @!p1 $0x0  }
0x14: {  	s2 =	sld [smem:$0x3F98];
	s0 =	simm.s32 @p1 $0x1  }
0x15: {  	[smem:$0x3FB5] =	sst s0;
	s0 =	simm.s32 @!p2 $0x0  }
0x16: {  	s3 =	sld [smem:$0x3FDB];
	s0 =	simm.s32 @p2 $0x1  }
0x17: {  	s4 =	simm.s32 $0x1BF5;
	[smem:$0x3FB7] =	sst s0  }
0x18: {  	s0 =	sld [smem:$0x3F9A];
	_ =	swait.ge [sflag:s4], $0x0  }
0x19: {  	s7 =	sld [smem:$0x3F9B]  }
0x1a: {  	s8 =	sadd.s32 $0xFFFFE003, lr  }
0x1b: {  	s9 =	sadd.s32 $0xFFFFFEF7, lr;
	s5 =	simm.s32 $0xFFFFFFFF;
	p2 =	slt.u32 s8, $0xFFFFF086  }
0x1c: {  	p1 =	slt.u32 s9, $0xF7A;
	s5 =	simm.s32 @!p2 $0x0  }
0x1d: {  	s5 =	simm.s32 @p1 $0x1;
	p0 =	seq.s32 s7, s2  }
0x1e: {  	s7 =	smul.u32 @!p0 $0xF7A, s2;
	p2 =	seq.s32 @!p0 s5, $0x0  }
0x1f: {  	s9 =	smul.u32 $0xF7A, s1;
	s8 =	simm.s32 @!p0 $0x1BF5;
	p2 =	por !p2, p0  }
0x20: {  	[sflag:s8] =	ssyncset.s32 @!p0 $0xFFFFF086;
	s6 =	sadd.s32 @!p0 s3, s7;
	s7 =	simm.s32 @!p0 $0x108  }
0x21: {  	s3 =	sadd.s32 s3, s9;
	s6 =	sadd.s32 @!p0 $0x88, s6;
	s7 =	simm.s32 @p2 $0x1082  }
0x22: {  	[simem:s7], [sflag:s8] =	dma.local @!p0 [hbm:s6], $0xF7A  }
0x23: {  	s9 =	sor.u32 $0xD0000000, s2;
	s6 =	simm.s32 $0x108;
	_ =	swait.ge @!p0 [sflag:s8], $0x0  }
0x24: {  	s3 =	sadd.s32 $0x88, s3;
	s6 =	simm.s32 @!p1 $0x1082;
	[sflag:s4] =	ssyncset.s32 $0xFFFFF086  }
0x25: {  	[simem:s6], [sflag:s4] =	dma.local [hbm:s3], $0xF7A  }
0x26: {  	[smem:$0x3F9B] =	sst s1;
	(tag) =	ssettag s2;
	_ =	strace s9  }
0x27: {  	s1 =	sld [smem:$0x3FAB]  }
0x28: {  	s2 =	sld [smem:$0x3FAC]  }
0x29: {  	s4 =	sld [smem:$0x3FAE]  }
0x2a: {  	p0 =	seq.s32 s5, $0x0;
	s5 =	sld [smem:$0x3FAF]  }
0x2b: {  	s6 =	sld [smem:$0x3FB0]  }
0x2c: {  	s7 =	sld [smem:$0x3FB1]  }
0x2d: {  	s3 =	simm.s32 $0x108;
	s8 =	sld [smem:$0x3FB2]  }
0x2e: {  	s3 =	simm.s32 @!p0 $0x1082;
	s9 =	sld [smem:$0x3FB3]  }
0x2f: {  	lr =	sadd.s32 s0, s3;
	s0 =	sld [smem:$0x3FAA]  }
0x30: {  	s3 =	sld [smem:$0x3FAD]  }
0x31: {  	[smem:$0x3FB6] =	sst s10  }
0x32: {  	s10 =	sld [smem:$0x3FB4];
	_ =	sdelay $0x3  }
0x33: {  	p0 =	seq.s32 s10, $0x1;
	s10 =	sld [smem:$0x3FB6];
	_ =	sdelay $0x3  }
0x34: {  	[smem:$0x3FB6] =	sst s10  }
0x35: {  	s10 =	sld [smem:$0x3FB5];
	_ =	sdelay $0x3  }
0x36: {  	p1 =	seq.s32 s10, $0x1;
	s10 =	sld [smem:$0x3FB6];
	_ =	sdelay $0x3  }
0x37: {  	[smem:$0x3FB6] =	sst s10  }
0x38: {  	s10 =	sld [smem:$0x3FB7]  }
0x39: {  	_ = 	snop;
	(pc) =	sbr.ind lr, $3  }
0x3a: {  	_ = 	snop  }
0x3b: {  	_ = 	snop  }
0x3c: {  	p2 =	seq.s32 s10, $0x1;
	s10 =	sld [smem:$0x3FB6]  }
0x3d: {  	_ =	shalt  }
0x3e: {  	_ =	shalt  }
0x3f: {  	_ =	shalt  }
0x40: {  	_ =	shalt  }
0x41: {  	_ =	shalt  }
0x42: {  	_ =	shalt  }
0x43: {  	_ =	shalt  }
0x44: {  	_ =	shalt  }
0x45: {  	_ =	shalt  }
0x46: {  	_ =	shalt  }
0x47: {  	_ =	shalt  }
0x48: {  	_ =	shalt  }
0x49: {  	_ =	shalt  }
0x4a: {  	_ =	shalt  }
0x4b: {  	_ =	shalt  }
0x4c: {  	_ =	shalt  }
0x4d: {  	_ =	shalt  }
0x4e: {  	_ =	shalt  }
0x4f: {  	_ =	shalt  }
0x50: {  	_ =	shalt  }
0x51: {  	_ =	shalt  }
0x52: {  	_ =	shalt  }
0x53: {  	_ =	shalt  }
0x54: {  	_ =	shalt  }
0x55: {  	_ =	shalt  }
0x56: {  	_ =	shalt  }
0x57: {  	_ =	shalt  }
0x58: {  	_ =	shalt  }
0x59: {  	_ =	shalt  }
0x5a: {  	_ =	shalt  }
0x5b: {  	_ =	shalt  }
0x5c: {  	_ =	shalt  }
0x5d: {  	_ =	shalt  }
0x5e: {  	_ =	shalt  }
0x5f: {  	_ =	shalt  }
0x60: {  	_ =	shalt  }
0x61: {  	_ =	shalt  }
0x62: {  	_ =	shalt  }
0x63: {  	_ =	shalt  }
0x64: {  	_ =	shalt  }
0x65: {  	_ =	shalt  }
0x66: {  	_ =	shalt  }
0x67: {  	_ =	shalt  }
0x68: {  	_ =	shalt  }
0x69: {  	_ =	shalt  }
0x6a: {  	_ =	shalt  }
0x6b: {  	_ =	shalt  }
0x6c: {  	_ =	shalt  }
0x6d: {  	_ =	shalt  }
0x6e: {  	_ =	shalt  }
0x6f: {  	_ =	shalt  }
0x70: {  	_ =	shalt  }
0x71: {  	_ =	shalt  }
0x72: {  	_ =	shalt  }
0x73: {  	_ =	shalt  }
0x74: {  	_ =	shalt  }
0x75: {  	_ =	shalt  }
0x76: {  	_ =	shalt  }
0x77: {  	_ =	shalt  }
0x78: {  	_ =	shalt  }
0x79: {  	_ =	shalt  }
0x7a: {  	_ =	shalt  }
0x7b: {  	_ =	shalt  }
0x7c: {  	_ =	shalt  }
0x7d: {  	_ =	shalt  }
0x7e: {  	_ =	shalt  }
0x7f: {  	_ =	shalt  }
0x80: {  	_ =	shalt  }
0x81: {  	_ =	shalt  }
0x82: {  	_ =	shalt  }
0x83: {  	_ =	shalt  }
0x84: {  	_ =	shalt  }
0x85: {  	_ =	shalt  }
0x86: {  	_ =	shalt  }
0x87: {  	_ =	shalt  }
.Lfunc_end0:
.L_simem_size_0:
called_computation.1_lowered:
.L_overlay_start_0:
0x88: {  	s2 =	sld [smem:$0x3FD9]  }
0x89: {  	s3 =	sld [smem:$0x3FFE];
	_ =	sdelay $0x1  }
0x8a: {  	s1 =	srdreg.scid  }
0x8b: {  	s0 =	sand.u32 $0x1, s1  }
0x8c: {  	s17 =	sshll.u32 s0, $0xA;
	s2 =	sadd.s32 s3, s2  }
0x8d: {  	s2 =	sadd.s32 s2, s17  }
0x8e: {  	[smem:$0x3FC2] =	sst s2  }
0x8f: {  	_ = 	snop  }
0x90: {  	s2 =	sld [smem:$0x3FD0];
	(tm) =	ssettm $0x1  }
0x91: {  	s18 =	sld [smem:$0x3FFB];
	_ =	sdelay $0x3  }
0x92: {  	_ =	strace s18  }
0x93: {  	s3 =	sld [smem:$0x3FFC];
	_ =	sdelay $0x3  }
0x94: {  	_ =	strace s3  }
0x95: {  	s3 =	sld [smem:$0x3FFD];
	_ =	sdelay $0x3  }
0x96: {  	_ =	strace s3  }
0x97: {  	_ =	strace $0x8FFFFFFF  }
0x98: {  	s19 =	sld [smem:$0x3FDB];
	_ =	sdelay $0x1  }
0x99: {  	s4 =	simm.s32 $_scs_section_size  }
0x9a: {  	s5 =	simm.s32 $_size__tile_overlayer_lowered;
	s6 =	simm.s32 $_tile_overlayer_lowered  }
0x9b: {  	s22 =	simm.s32 $0x1BFF;
	s21 =	sshll.u32 s6, $0x1;
	s3 =	sadd.s32 s4, s19  }
0x9c: {  	s7 =	simm.s32 $0x0;
	s20 =	sshll.u32 s5, $0x1;
	s5 =	sadd.s32 s21, s3  }
0x9d: {  	[timem:s7], [sflag:s22] =	dma.local [hbm:s5], s20  }
0x9e: {  	_ =	swait.ge [sflag:s22], s20  }
0x9f: {  	s4 =	ssub.s32 $0x0, s20;
	[sflag:s22] =	ssyncset.done $0x0  }
0xa0: {  	[sflag:s22] =	ssyncadd.s32 s4;
	_ =	sdelay $0x1  }
0xa1: {  	s23 =	simm.s32 $0x1B8B  }
0xa2: {  	_ =	swait.ge [sflag:s23], $0x1  }
0xa3: {  	[sflag:s23] =	ssyncset.done $0x0  }
0xa4: {  	s25 =	simm.s32 $0x1B8E;
	s24 =	sld [smem:$0x3FFE];
	[sflag:s23] =	ssyncadd.s32 $0xFFFFFFFF  }
0xa5: {  	s26 =	simm.s32 $execute0_lowered;
	[smem:$0x3FD2] =	sst s25  }
0xa6: {  	s5 =	sshll.u32 s26, $0x1;
	_ =	strace $0x80000049;
	[dreg:$0x1] =	wrdreg $0xFFFFFFFF  }
0xa7: {  	s28 =	simm.s32 $_size_execute0_lowered;
	s3 =	sadd.s32 s3, s5;
	[dreg:$0x0] =	wrdreg $0x0  }
0xa8: {  	s5 =	sshll.u32 s28, $0x1;
	[dreg:$0x2] =	wrdreg s3  }
0xa9: {  	[dreg:$0x3] =	wrdreg s5  }
0xaa: {  	[dreg:$0x4] =	wrdreg $0xC0  }
0xab: {  	_ =	task [dreg:s7], $0x5FFFF  }
0xac: {  	[dreg:$0x1] =	wrdreg $0xFFFFFFFF  }
0xad: {  	[dreg:$0x0] =	wrdreg $0x60  }
0xae: {  	[dreg:$0x2] =	wrdreg s2  }
0xaf: {  	[dreg:$0x3] =	wrdreg s24  }
0xb0: {  	[dreg:$0x4] =	wrdreg $0x9  }
0xb1: {  	_ =	task.clear_ibuf [dreg:s7], $0x5FFFF;
	_ =	strace $0x90000049  }
0xb2: {  	s29 =	simm.s32 $0x9;
	_ =	strace $0x8000004B  }
0xb3: {  	_ =	swait.ge [sflag:s29], $0x1  }
0xb4: {  	[sflag:s29] =	ssyncadd.s32 $0xFFFFFFFF  }
0xb5: {  	_ =	strace $0x9000004B  }
0xb6: {  	_ =	sfence  }
0xb7: {  	s30 =	sld [smem:$0x0];
	_ =	sdelay $0x2  }
0xb8: {  	s31 =	sshll.u32 s1, $0xD;
	s1 =	sshrl.u32 s1, $0x2  }
0xb9: {  	s3 =	sand.u32 $0x4000, s31;
	s1 =	sadd.s32 s1, s30  }
0xba: {  	s0 =	sor.u32 s3, s0;
	s1 =	sshll.u32 s1, $0x11  }
0xbb: {  	s0 =	sor.u32 s1, s0  }
0xbc: {  	s0 =	sadd.s32 $0x8F2B, s0  }
0xbd: {  	[sflag:s0] =	ssyncadd.remote.s32 $0x1  }
0xbe: {  	_ =	sfence.sel $0xFFFF  }
0xbf: {  	[dreg:$0x0] =	wrdreg $0xFFFFFFFF;
	(pc) =	sbr.abs _section_cstart, $3  }
0xc0: {  	[dreg:$0x1] =	wrdreg $0xFFFFFFFF  }
0xc1: {  	_ =	task.clear_ibuf [dreg:s7], $0x2FFFF;
	_ =	strace $0x9FFFFFFF  }
0xc2: {  	(tm) =	ssettm $0x7FFFFFFF  }
0xc3: {  	_ =	shalt  }
tec
execute0_lowered:
.L_overlay_start_1:
0x0: {  	(tag) =	ssettag $0x1  }
0x1: {  	s1 =	rddreg [dreg:$0x0]  }
0x2: {  	s0 =	rddreg [dreg:$0x1];
	s2 =	simm.s32 $0x0  }
0x3: {  	s26 =	srdreg.scid;
	s4 =	stileid.u32;
	s22 =	simm.s32 $0x1  }
0x4: {  	s23 =	simm.s32 $0x8000;
	[smem:$0x7FF] =	sst s2;
	s3 =	sadd.s32 $0xA00, s0  }
0x5: {  	s25 =	sadd.s32 $0xE00, s0;
	_ =	strace $0x8000004A;
	[dreg:$0x3] =	wrdreg s3  }
0x6: {  	s24 =	simm.s32 $0x2;
	s5 =	sadd.s32 $0x1000, s0;
	[dreg:$0x4] =	wrdreg s25  }
0x7: {  	s4 =	sshll.u32 s4, $0x1;
	s28 =	sadd.s32 $0xC00, s0;
	[dreg:$0x5] =	wrdreg s5  }
0x8: {  	s8 =	sadd.s32 $0x1200, s0;
	s3 =	sand.u32 $0x1, s26;
	[dreg:$0x6] =	wrdreg s28  }
0x9: {  	s25 =	simm.s32 $0xC000;
	s29 =	ssub.s32 $0x2, s3;
	s3 =	sor.u32 s3, s4  }
.Ltmp0:
0xa: {  	s30 =	sshrl.u32 s29, $0x1;
	s4 =	sshll.u32 s3, $0xF;
	(pc) =	sbr.rel .LBB2_1-.Ltmp0, $4  }
0xb: {  	s9 =	sshll.u32 s3, $0x8;
	s0 =	ssub.s32 s29, s30;
	s31 =	sadd.s32 s1, s4  }
0xc: {  	s11 =	sand.u32 $0x700, s9;
	[dreg:$0x7] =	wrdreg s31;
	s3 =	sadd.s32 $0x800, s31  }
0xd: {  	s13 =	sor.u32 $0x20, s9;
	s0 =	smax.u32 s0, $0x1;
	[dreg:$0x8] =	wrdreg s3  }
0xe: {  	s14 =	sor.u32 $0x30, s9;
	s4 =	simm.s32 $0x0;
	[dreg:$0x9] =	wrdreg s0  }
.LBB2_12:
0xf: {  	s0 =	simm.s32 $0x3  }
0x10: {  	_ =	swait.ge [sflag:s0], $0x4000  }
0x11: {  	[sflag:s0] =	ssyncset.done $0x0  }
0x12: {  	s3 =	simm.s32 $0x4;
	[sflag:s0] =	ssyncadd.s32 $0xFFFFC000  }
0x13: {  	_ =	swait.ge [sflag:s3], $0x4000  }
0x14: {  	s4 =	rddreg [dreg:$0xa]  }
0x15: {  	s31 =	rddreg [dreg:$0x9];
	s4 =	sadd.s32 $0x1, s4  }
0x16: {  	p0 =	sne.s32 s4, s31  }
.Ltmp1:
0x17: {  	_ = 	snop;
	(pc) =	sbr.rel @!p0 .LBB2_13-.Ltmp1, $3  }
0x18: {  	_ =	sdelay $0x1  }
0x19: {  	[sflag:s3] =	ssyncset.done $0x0  }
0x1a: {  	[sflag:s3] =	ssyncadd.s32 $0xFFFFC000  }
.LBB2_1:
0x1b: {  	[dreg:$0xa] =	wrdreg s4  }
0x1c: {  	s0 =	rddreg [dreg:$0x3];
	s3 =	simm.s32 $0x10000;
	s16 =	simm.s32 $0x5  }
0x1d: {  	[tilespmem:s3], [sflag:$0x5] =	stream.linear.gather [hbm4b:s0+s2], $0xC00, $0x38;
	[tilespmem:$0x10D80] =	vst v63  }
0x1e: {  	_ =	swait.ge [sflag:s16], $0xC00  }
0x1f: {  	[sflag:s16] =	ssyncset.done $0x0  }
0x20: {  	s18 =	simm.s32 $0x10C00;
	s17 =	rddreg [dreg:$0x4];
	[sflag:s16] =	ssyncadd.s32 $0xFFFFF400  }
0x21: {  	[tilespmem:s18], [sflag:$0x5] =	stream.linear.gather [hbm4b:s17+s2], $0x80, $0x38;
	[tilespmem:$0x10D80] =	vst v63  }
0x22: {  	_ =	swait.ge [sflag:s16], $0x80  }
0x23: {  	[sflag:s16] =	ssyncset.done $0x0  }
0x24: {  	s20 =	simm.s32 $0x10C80;
	s19 =	rddreg [dreg:$0x5];
	[sflag:s16] =	ssyncadd.s32 $0xFFFFFF80  }
0x25: {  	[tilespmem:s20], [sflag:$0x5] =	stream.linear.gather [hbm4b:s19+s2], $0x80, $0x38;
	[tilespmem:$0x10D80] =	vst v63  }
0x26: {  	_ =	swait.ge [sflag:s16], $0x80  }
0x27: {  	[sflag:s16] =	ssyncset.done $0x0  }
0x28: {  	s26 =	simm.s32 $0x10D00;
	s21 =	rddreg [dreg:$0x6];
	[sflag:s16] =	ssyncadd.s32 $0xFFFFFF80  }
0x29: {  	[tilespmem:s26], [sflag:$0x5] =	stream.linear.gather [hbm4b:s21+s2], $0x80, $0x38;
	[tilespmem:$0x10D80] =	vst v63  }
0x2a: {  	_ =	swait.ge [sflag:s16], $0x80  }
0x2b: {  	[sflag:s16] =	ssyncset.done $0x0  }
0x2c: {  	[sflag:s16] =	ssyncadd.s32 $0xFFFFFF80  }
0x2d: {  	v0 =	vld [tilespmem:$0x10C00]  }
0x2e: {  	s28 =	rddreg [dreg:$0x7];
	v1 =	vld [tilespmem:$0x10C80]  }
0x2f: {  	v2 =	vld [tilespmem:$0x10D00];
	[tilespmem:s2], [sflag:$0x1] =	stream.linear.gather [hbm4b:s28+s2], $0x4000, $0x38  }
0x30: {  	s31 =	simm.s32 $0x4000;
	s30 =	simm.s32 $0x0;
	s29 =	rddreg [dreg:$0x8]  }
0x31: {  	[tilespmem:s31], [sflag:$0x2] =	stream.linear.gather [hbm4b:s29+s2], $0x4000, $0x38;
	[tilespmem:$0x10D80] =	vst v63  }
.LBB2_2:
0x32: {  	_ =	swait.ge [sflag:s22], $0x4000  }
0x33: {  	p0 =	seq.s32 s30, $0x0;
	[sflag:s22] =	ssyncset.done $0x0  }
0x34: {  	s31 =	sshll.u32 s30, $0x5;
	s3 =	simm.s32 @!p0 $0x3;
	[sflag:s22] =	ssyncadd.s32 $0xFFFFC000  }
0x35: {  	s16 =	simm.s32 $0x0;
	s18 =	simm.s32 $0x800;
	_ =	swait.ge @!p0 [sflag:s3], $0x4000  }
0x36: {  	s26 =	simm.s32 $0x8800;
	s20 =	simm.s32 $0x0;
	[sflag:s3] =	ssyncset.done @!p0 $0x0  }
0x37: {  	s0 =	sadd.s32 s9, s31;
	[sflag:s3] =	ssyncadd.s32 @!p0 $0xFFFFC000;
	s3 =	sadd.s32 s11, s31  }
.LBB2_3:
0x38: {  	s4 =	simm.s32 $0x10000  }
0x39: {  	s5 =	sand.u32 $0x3E0, s16;
	v10 =	vld [tilespmem:s4+$0x0]  }
0x3a: {  	v7 =	vld [tilespmem:s5+$0x10800]  }
0x3b: {  	s6 =	sshll.u32 s20, $0x2;
	v8 =	vld [tilespmem:s5+$0x10400]  }
0x3c: {  	s6 =	sadd.s32 s3, s6  }
0x3d: {  	v4 =	vld [tilespmem:s18+$0xFFFFF800];
	v3 =	vmov s6  }
0x3e: {  	vm0 =	vlt.s32 v3, v2  }
0x3f: {  	vm1 =	vlt.s32 v3, v1;
	v5 =	vsel vm0, v10, v7  }
0x40: {  	v6 =	vld [tilespmem:s4+$0x10];
	vm2 =	vlt.s32 v3, v0;
	v3 =	vsel vm1, v8, v5  }
0x41: {  	s12 =	simm.s32 $0x10020;
	v9 =	vld [tilespmem:s4+$0x810];
	v3 =	vsel vm2, v10, v3  }
0x42: {  	s7 =	simm.s32 $0x20;
	v14 =	vld [tilespmem:s12+$0x0];
	v3 =	vadd.f32 v3, v4  }
0x43: {  	s7 =	sand.u32 $0x3E0, s7;
	v11 =	vld [tilespmem:s4+$0x410]  }
0x44: {  	s10 =	sor.u32 $0x1, s6;
	v12 =	vld [tilespmem:s7+$0x10800];
	[tilespmem:s26+$0xFFFFF800] =	vst v3  }
0x45: {  	v4 =	vmov s10;
	v3 =	vld [tilespmem:s18+$0xFFFFFC00]  }
0x46: {  	v17 =	vld [tilespmem:s7+$0x10400];
	vm3 =	vlt.s32 v4, v2  }
0x47: {  	v13 =	vld [tilespmem:s18+$0xFFFFF810];
	s4 =	sadd.s32 $0x20, s18;
	vm4 =	vlt.s32 v4, v1;
	v5 =	vsel vm3, v10, v7  }
0x48: {  	vm5 =	vlt.s32 v4, v0;
	v4 =	vsel vm4, v8, v5;
	v5 =	vld [tilespmem:s4+$0xFFFFF800]  }
0x49: {  	v4 =	vsel vm5, v10, v4  }
0x4a: {  	v15 =	vsel vm0, v6, v9;
	v3 =	vadd.f32 v4, v3;
	v4 =	vsel vm0, v14, v12  }
0x4b: {  	v16 =	vld [tilespmem:s12+$0x10];
	s15 =	sor.u32 $0x2, s6;
	v15 =	vsel vm1, v11, v15;
	v4 =	vsel vm1, v17, v4  }
0x4c: {  	v18 =	vld [tilespmem:s12+$0x810];
	v15 =	vsel vm2, v6, v15;
	[tilespmem:s26+$0xFFFFFC00] =	vst v3;
	v3 =	vsel vm2, v14, v4;
	v4 =	vmov s15  }
0x4d: {  	s6 =	sor.u32 $0x3, s6;
	v19 =	vld [tilespmem:s18+$0x0];
	v3 =	vadd.f32 v3, v5;
	vm9 =	vlt.s32 v4, v2;
	v5 =	vadd.f32 v15, v13  }
0x4e: {  	s19 =	simm.s32 $0x40;
	v13 =	vld [tilespmem:s12+$0x410];
	vm10 =	vlt.s32 v4, v1;
	vm11 =	vlt.s32 v4, v0;
	v4 =	vmov s6  }
0x4f: {  	s5 =	sadd.s32 $0x20, s26;
	v15 =	vld [tilespmem:s4+$0xFFFFF810];
	s6 =	sand.u32 $0x3E0, s19;
	v20 =	vsel vm9, v10, v7;
	vm8 =	vlt.s32 v4, v2  }
0x50: {  	vm7 =	vlt.s32 v4, v1;
	vm6 =	vlt.s32 v4, v0;
	v4 =	vld [tilespmem:s6+$0x10800];
	[tilespmem:s5+$0xFFFFF800] =	vst v3;
	v3 =	vsel vm10, v8, v20  }
0x51: {  	[tilespmem:s26+$0xFFFFF810] =	vst v5;
	v20 =	vld [tilespmem:s4+$0xFFFFFC00];
	v3 =	vsel vm11, v10, v3  }
0x52: {  	s17 =	simm.s32 $0x10040;
	v22 =	vsel vm3, v6, v9;
	v21 =	vld [tilespmem:s18+$0xFFFFFC10];
	v5 =	vadd.f32 v19, v3  }
0x53: {  	v26 =	vsel vm3, v16, v18;
	v22 =	vsel vm4, v11, v22;
	v3 =	vld [tilespmem:s17+$0x0];
	v19 =	vsel vm3, v14, v12  }
0x54: {  	v23 =	vsel vm9, v6, v9;
	v9 =	vsel vm8, v6, v9;
	v19 =	vsel vm4, v17, v19;
	[tilespmem:s26+$0x0] =	vst v5;
	v5 =	vld [tilespmem:s6+$0x10400]  }
0x55: {  	v22 =	vsel vm5, v6, v22;
	v9 =	vsel vm7, v11, v9;
	v19 =	vsel vm5, v14, v19;
	s6 =	sadd.s32 $0x20, s4;
	v24 =	vld [tilespmem:s18+$0x400]  }
0x56: {  	v19 =	vadd.f32 v19, v20;
	v20 =	vsel vm10, v11, v23;
	v23 =	vsel vm0, v16, v18;
	v25 =	vld [tilespmem:s6+$0xFFFFF800]  }
0x57: {  	v21 =	vadd.f32 v22, v21;
	v22 =	vld [tilespmem:s17+$0x410];
	v20 =	vsel vm11, v6, v20;
	v11 =	vsel vm1, v13, v23  }
0x58: {  	v23 =	vld [tilespmem:s17+$0x10];
	v6 =	vsel vm6, v6, v9;
	[tilespmem:s5+$0xFFFFFC00] =	vst v19;
	v9 =	vsel vm2, v16, v11;
	v11 =	vsel vm0, v3, v4  }
0x59: {  	v27 =	vsel vm9, v14, v12;
	v19 =	vld [tilespmem:s4+$0x0];
	v9 =	vadd.f32 v9, v15;
	v11 =	vsel vm1, v5, v11  }
0x5a: {  	v28 =	vsel vm9, v16, v18;
	v18 =	vsel vm8, v16, v18;
	v15 =	vld [tilespmem:s17+$0x810];
	v11 =	vsel vm2, v3, v11  }
0x5b: {  	v29 =	vld [tilespmem:s6+$0xFFFFF810];
	[tilespmem:s5+$0xFFFFF810] =	vst v9;
	v9 =	vadd.f32 v11, v25;
	v11 =	vsel vm10, v17, v27;
	v25 =	vsel vm4, v13, v26  }
0x5c: {  	s7 =	sadd.s32 $0x20, s5;
	[tilespmem:s26+$0xFFFFFC10] =	vst v21;
	v21 =	vld [tilespmem:s4+$0xFFFFFC10];
	v26 =	vsel vm10, v13, v28;
	v13 =	vsel vm7, v13, v18;
	v18 =	vsel vm8, v10, v7  }
0x5d: {  	v27 =	vld [tilespmem:s18+$0x10];
	v11 =	vsel vm11, v14, v11;
	v25 =	vsel vm5, v16, v25;
	v7 =	vsel vm6, v16, v13;
	[tilespmem:s7+$0xFFFFF800] =	vst v9  }
0x5e: {  	s15 =	simm.s32 $0x60;
	s12 =	simm.s32 $0x10060;
	v13 =	vsel vm7, v8, v18;
	v11 =	vadd.f32 v19, v11;
	v9 =	vsel vm11, v16, v26;
	v19 =	vld [tilespmem:s6+$0xFFFFFC00]  }
0x5f: {  	s21 =	sand.u32 $0x3E0, s15;
	v8 =	vld [tilespmem:s12+$0x0];
	v16 =	vsel vm0, v23, v15;
	v10 =	vsel vm6, v10, v13;
	v13 =	vsel vm3, v3, v4  }
0x60: {  	[tilespmem:s5+$0x0] =	vst v11;
	v11 =	vsel vm1, v22, v16;
	v16 =	vsel vm4, v5, v13;
	v13 =	vld [tilespmem:s21+$0x10400]  }
0x61: {  	v24 =	vadd.f32 v24, v10;
	v10 =	vsel vm2, v23, v11;
	v11 =	vld [tilespmem:s21+$0x10800]  }
0x62: {  	s10 =	sadd.s32 $0x20, s6;
	v26 =	vsel vm3, v23, v15;
	v18 =	vld [tilespmem:s4+$0x400];
	v60 =	vadd.f32 v10, v29;
	v10 =	vsel vm5, v3, v16  }
0x63: {  	v21 =	vadd.f32 v25, v21;
	v25 =	vld [tilespmem:s10+$0xFFFFF800];
	v16 =	vsel vm9, v23, v15;
	v19 =	vadd.f32 v10, v19  }
0x64: {  	v61 =	vsel vm8, v23, v15;
	v15 =	vsel vm4, v22, v26;
	v26 =	vld [tilespmem:s12+$0x810];
	v16 =	vsel vm10, v22, v16  }
0x65: {  	v15 =	vsel vm5, v23, v15;
	v22 =	vsel vm7, v22, v61;
	v10 =	vld [tilespmem:s12+$0x10];
	v16 =	vsel vm11, v23, v16;
	[tilespmem:s7+$0xFFFFFC00] =	vst v19  }
0x66: {  	v19 =	vadd.f32 v27, v20;
	v20 =	vsel vm8, v14, v12;
	v27 =	vsel vm0, v8, v11;
	v62 =	vld [tilespmem:s6+$0x0]  }
0x67: {  	[tilespmem:s7+$0xFFFFF810] =	vst v60;
	v12 =	vsel vm6, v23, v22;
	v20 =	vsel vm7, v17, v20;
	v22 =	vsel vm1, v13, v27;
	v17 =	vld [tilespmem:s12+$0x410]  }
0x68: {  	[tilespmem:s5+$0xFFFFFC10] =	vst v21;
	v21 =	vld [tilespmem:s6+$0xFFFFFC10];
	v23 =	vsel vm9, v3, v4;
	v14 =	vsel vm6, v14, v20;
	v22 =	vsel vm2, v8, v22  }
0x69: {  	[tilespmem:s26+$0x400] =	vst v24;
	v20 =	vld [tilespmem:s10+$0xFFFFF810];
	v24 =	vadd.f32 v18, v14;
	v14 =	vadd.f32 v22, v25;
	v18 =	vsel vm10, v5, v23  }
0x6a: {  	s12 =	sadd.s32 $0x20, s7;
	[tilespmem:s26+$0x10] =	vst v19;
	v19 =	vld [tilespmem:s4+$0x10];
	v25 =	vsel vm0, v10, v26;
	v27 =	vsel vm3, v10, v26;
	v22 =	vsel vm11, v3, v18  }
0x6b: {  	s29 =	simm.s32 $0x10080;
	v63 =	vsel vm9, v10, v26;
	v18 =	vsel vm8, v10, v26;
	[tilespmem:s12+$0xFFFFF800] =	vst v14;
	v14 =	vld [tilespmem:s18+$0x410];
	v22 =	vadd.f32 v62, v22  }
0x6c: {  	s19 =	smov.u32 s26;
	s28 =	smov.u32 s10;
	s17 =	simm.s32 $0x6;
	[tilespmem:s5+$0x400] =	vst v24;
	v23 =	vld [tilespmem:s10+$0xFFFFFC00];
	v26 =	vsel vm1, v17, v25;
	v25 =	vsel vm4, v17, v27;
	v24 =	vsel vm10, v17, v63  }
.LBB2_4:
0x6d: {  	v27 =	vld [tilespmem:s29+$0x0];
	v26 =	vsel vm2, v10, v26;
	v25 =	vsel vm5, v10, v25;
	v24 =	vsel vm11, v10, v24;
	s15 =	sadd.s32 $0x20, s15;
	[tilespmem:s7+$0x0] =	vst v22  }
0x6e: {  	s17 =	sadd.s32 $0x2, s17;
	v22 =	vsel vm3, v8, v11;
	s21 =	sand.u32 $0x3E0, s15;
	v20 =	vadd.f32 v26, v20;
	v26 =	vld [tilespmem:s6+$0x400];
	v21 =	vadd.f32 v15, v21;
	v15 =	vmovc v25  }
0x6f: {  	v17 =	vsel vm7, v17, v18;
	p1 =	slt.u32 s17, $0x3E;
	v22 =	vsel vm4, v13, v22;
	v25 =	vld [tilespmem:s21+$0x10800];
	v18 =	vadd.f32 v19, v9;
	v9 =	vmovc v16  }
0x70: {  	v28 =	vsel vm8, v3, v4;
	v17 =	vsel vm6, v10, v17;
	v22 =	vsel vm5, v8, v22;
	v19 =	vld [tilespmem:s21+$0x10400];
	[tilespmem:s12+$0xFFFFF810] =	vst v20  }
0x71: {  	s10 =	sadd.s32 $0x20, s10;
	v14 =	vadd.f32 v14, v6;
	v10 =	vld [tilespmem:s29+$0x10];
	v20 =	vadd.f32 v22, v23;
	v22 =	vsel vm7, v5, v28;
	[tilespmem:s7+$0xFFFFFC10] =	vst v21  }
0x72: {  	v4 =	vmovc v11;
	v16 =	vmovc v24;
	v21 =	vld [tilespmem:s10+$0xFFFFF800];
	v22 =	vsel vm6, v3, v22;
	[tilespmem:s5+$0x10] =	vst v18;
	v3 =	vmov v8;
	v8 =	vmov v27  }
0x73: {  	v6 =	vmovc v7;
	v7 =	vmovc v12;
	v12 =	vmov v17;
	v5 =	vmov v13;
	v18 =	vld [tilespmem:s29+$0x810];
	[tilespmem:s12+$0xFFFFFC00] =	vst v20;
	v20 =	vadd.f32 v26, v22  }
0x74: {  	v23 =	vsel vm0, v8, v25;
	v22 =	vld [tilespmem:s28+$0x0];
	[tilespmem:s19+$0x410] =	vst v14;
	v11 =	vmov v25;
	s19 =	smov.u32 s5;
	s5 =	smov.u32 s7;
	s7 =	smov.u32 s12  }
0x75: {  	v14 =	vsel vm1, v19, v23;
	v17 =	vld [tilespmem:s29+$0x410];
	[tilespmem:s5+$0x400] =	vst v20;
	v13 =	vmov v19  }
.Ltmp2:
0x76: {  	v19 =	vsel vm9, v3, v4;
	v14 =	vsel vm2, v8, v14;
	v20 =	vld [tilespmem:s10+$0xFFFFF810];
	(pc) =	sbr.rel @p1 .LBB2_4-.Ltmp2, $4  }
0x77: {  	v19 =	vsel vm10, v5, v19;
	v14 =	vadd.f32 v14, v21;
	v21 =	vld [tilespmem:s28+$0xFFFFFC10]  }
0x78: {  	s12 =	sadd.s32 $0x20, s12;
	v23 =	vsel vm11, v3, v19;
	v24 =	vsel vm0, v10, v18;
	v25 =	vsel vm3, v10, v18;
	v19 =	vld [tilespmem:s6+$0x10]  }
0x79: {  	v27 =	vsel vm9, v10, v18;
	v18 =	vsel vm8, v10, v18;
	[tilespmem:s12+$0xFFFFF800] =	vst v14;
	v22 =	vadd.f32 v22, v23;
	v14 =	vld [tilespmem:s4+$0x410];
	s4 =	smov.u32 s6;
	s6 =	smov.u32 s28;
	s28 =	smov.u32 s10  }
0x7a: {  	s29 =	sadd.s32 $0x20, s29;
	v23 =	vld [tilespmem:s10+$0xFFFFFC00];
	v26 =	vsel vm1, v17, v24;
	v25 =	vsel vm4, v17, v25;
	v24 =	vsel vm10, v17, v27  }
0x7b: {  	v26 =	vsel vm2, v10, v26  }
0x7c: {  	v20 =	vadd.f32 v26, v20;
	_ =	sdelay $0x1  }
0x7d: {  	[tilespmem:s12+$0xFFFFF810] =	vst v20  }
0x7e: {  	v43 =	vsel vm3, v8, v11;
	v44 =	vld [tilespmem:s28+$0xFFFFFC10]  }
0x7f: {  	v20 =	vsel vm4, v13, v43  }
0x80: {  	v20 =	vsel vm5, v8, v20  }
0x81: {  	v20 =	vadd.f32 v20, v23  }
0x82: {  	v45 =	vsel vm5, v10, v25;
	v15 =	vadd.f32 v15, v21  }
0x83: {  	[tilespmem:s12+$0xFFFFFC00] =	vst v20;
	v46 =	vadd.f32 v45, v44  }
0x84: {  	[tilespmem:s7+$0xFFFFFC10] =	vst v15;
	v47 =	vld [tilespmem:s28+$0x0]  }
0x85: {  	v48 =	vld [tilespmem:s6+$0x10];
	[tilespmem:s12+$0xFFFFFC10] =	vst v46  }
0x86: {  	v49 =	vsel vm9, v8, v11;
	v50 =	vld [tilespmem:s28+$0x10]  }
0x87: {  	v20 =	vsel vm10, v13, v49  }
0x88: {  	v9 =	vadd.f32 v19, v9;
	v51 =	vsel vm11, v8, v20  }
0x89: {  	[tilespmem:s7+$0x0] =	vst v22;
	v15 =	vadd.f32 v47, v51  }
0x8a: {  	v52 =	vsel vm11, v10, v24;
	v53 =	vld [tilespmem:s6+$0x400];
	[tilespmem:s5+$0x10] =	vst v9;
	v54 =	vadd.f32 v48, v16  }
0x8b: {  	v55 =	vld [tilespmem:s4+$0x410];
	[tilespmem:s12+$0x0] =	vst v15;
	v56 =	vadd.f32 v50, v52  }
0x8c: {  	v4 =	vsel vm8, v3, v4;
	[tilespmem:s7+$0x10] =	vst v54;
	v57 =	vld [tilespmem:s28+$0x400]  }
0x8d: {  	v4 =	vsel vm7, v5, v4;
	v58 =	vld [tilespmem:s6+$0x410];
	[tilespmem:s12+$0x10] =	vst v56  }
0x8e: {  	v59 =	vsel vm8, v8, v11;
	v3 =	vsel vm6, v3, v4;
	v6 =	vadd.f32 v14, v6;
	v60 =	vld [tilespmem:s28+$0x410]  }
0x8f: {  	s20 =	sadd.s32 $0x1, s20;
	v4 =	vsel vm7, v13, v59;
	v3 =	vadd.f32 v53, v3  }
0x90: {  	p1 =	sne.s32 s20, $0x4;
	v4 =	vsel vm6, v8, v4;
	[tilespmem:s19+$0x410] =	vst v6;
	v61 =	vadd.f32 v55, v7  }
.Ltmp3:
0x91: {  	v62 =	vsel vm7, v17, v18;
	[tilespmem:s7+$0x400] =	vst v3;
	v3 =	vadd.f32 v57, v4;
	(pc) =	sbr.rel @p1 .LBB2_3-.Ltmp3, $4  }
0x92: {  	v63 =	vsel vm6, v10, v62;
	[tilespmem:s5+$0x410] =	vst v61;
	v5 =	vadd.f32 v58, v12  }
0x93: {  	[tilespmem:s12+$0x400] =	vst v3;
	v3 =	vadd.f32 v60, v63  }
0x94: {  	[tilespmem:s7+$0x410] =	vst v5  }
0x95: {  	s18 =	sadd.s32 $0x1000, s18;
	s26 =	sadd.s32 $0x1000, s26;
	[tilespmem:s12+$0x410] =	vst v3  }
0x96: {  	s0 =	sshll.u32 s0, $0x7  }
0x97: {  	p1 =	seq.s32 s30, $0x7;
	s0 =	sadd.s32 s8, s0  }
0x98: {  	[hbm4b:s0+s2] =	stream.linear.scatter [tilespmem:s23], [sflag:$0x3], $0x4000, $0x38;
	[tilespmem:$0x10D80] =	vst v63  }
0x99: {  	s0 =	sadd.s32 @!p1 s31, s13  }
0x9a: {  	s0 =	sshll.u32 @!p1 s0, $0x7  }
0x9b: {  	s0 =	sand.u32 @!p1 $0x1FFFF000, s0  }
0x9c: {  	s3 =	simm.s32 @!p1 $0x0;
	s0 =	sadd.s32 @!p1 s1, s0  }
0x9d: {  	[tilespmem:s3], [sflag:$0x1] =	stream.linear.gather @!p1 [hbm4b:s0+s3], $0x4000, $0x38;
	[tilespmem:$0x10D80] =	vst v63  }
0x9e: {  	_ =	swait.ge [sflag:s24], $0x4000  }
0x9f: {  	[sflag:s24] =	ssyncset.done $0x0  }
0xa0: {  	s4 =	sor.u32 $0x10, s31;
	s3 =	simm.s32 @!p0 $0x4;
	[sflag:s24] =	ssyncadd.s32 $0xFFFFC000  }
0xa1: {  	s16 =	simm.s32 $0x0;
	s18 =	simm.s32 $0x4800;
	_ =	swait.ge @!p0 [sflag:s3], $0x4000  }
0xa2: {  	s19 =	simm.s32 $0xC800;
	s20 =	simm.s32 $0x0;
	[sflag:s3] =	ssyncset.done @!p0 $0x0  }
0xa3: {  	s0 =	sadd.s32 s9, s4;
	[sflag:s3] =	ssyncadd.s32 @!p0 $0xFFFFC000;
	s3 =	sadd.s32 s11, s4  }
.LBB2_7:
0xa4: {  	s4 =	simm.s32 $0x10000  }
0xa5: {  	s5 =	sand.u32 $0x3E0, s16;
	v10 =	vld [tilespmem:s4+$0x0]  }
0xa6: {  	v7 =	vld [tilespmem:s5+$0x10800]  }
0xa7: {  	s6 =	sshll.u32 s20, $0x2;
	v8 =	vld [tilespmem:s5+$0x10400]  }
0xa8: {  	s6 =	sadd.s32 s3, s6  }
0xa9: {  	v4 =	vld [tilespmem:s18+$0xFFFFF800];
	v3 =	vmov s6  }
0xaa: {  	vm0 =	vlt.s32 v3, v2  }
0xab: {  	vm1 =	vlt.s32 v3, v1;
	v5 =	vsel vm0, v10, v7  }
0xac: {  	v6 =	vld [tilespmem:s4+$0x10];
	vm2 =	vlt.s32 v3, v0;
	v3 =	vsel vm1, v8, v5  }
0xad: {  	s12 =	simm.s32 $0x10020;
	v9 =	vld [tilespmem:s4+$0x810];
	v3 =	vsel vm2, v10, v3  }
0xae: {  	s7 =	simm.s32 $0x20;
	v14 =	vld [tilespmem:s12+$0x0];
	v3 =	vadd.f32 v3, v4  }
0xaf: {  	s7 =	sand.u32 $0x3E0, s7;
	v11 =	vld [tilespmem:s4+$0x410]  }
0xb0: {  	s10 =	sor.u32 $0x1, s6;
	v12 =	vld [tilespmem:s7+$0x10800];
	[tilespmem:s19+$0xFFFFF800] =	vst v3  }
0xb1: {  	v4 =	vmov s10;
	v3 =	vld [tilespmem:s18+$0xFFFFFC00]  }
0xb2: {  	v17 =	vld [tilespmem:s7+$0x10400];
	vm3 =	vlt.s32 v4, v2  }
0xb3: {  	v13 =	vld [tilespmem:s18+$0xFFFFF810];
	s4 =	sadd.s32 $0x20, s18;
	vm4 =	vlt.s32 v4, v1;
	v5 =	vsel vm3, v10, v7  }
0xb4: {  	vm5 =	vlt.s32 v4, v0;
	v4 =	vsel vm4, v8, v5;
	v5 =	vld [tilespmem:s4+$0xFFFFF800]  }
0xb5: {  	v4 =	vsel vm5, v10, v4  }
0xb6: {  	v15 =	vsel vm0, v6, v9;
	v3 =	vadd.f32 v4, v3;
	v4 =	vsel vm0, v14, v12  }
0xb7: {  	v16 =	vld [tilespmem:s12+$0x10];
	s15 =	sor.u32 $0x2, s6;
	v15 =	vsel vm1, v11, v15;
	v4 =	vsel vm1, v17, v4  }
0xb8: {  	v18 =	vld [tilespmem:s12+$0x810];
	v15 =	vsel vm2, v6, v15;
	[tilespmem:s19+$0xFFFFFC00] =	vst v3;
	v3 =	vsel vm2, v14, v4;
	v4 =	vmov s15  }
0xb9: {  	s6 =	sor.u32 $0x3, s6;
	v19 =	vld [tilespmem:s18+$0x0];
	v3 =	vadd.f32 v3, v5;
	vm9 =	vlt.s32 v4, v2;
	v5 =	vadd.f32 v15, v13  }
0xba: {  	s21 =	simm.s32 $0x40;
	v13 =	vld [tilespmem:s12+$0x410];
	vm10 =	vlt.s32 v4, v1;
	vm11 =	vlt.s32 v4, v0;
	v4 =	vmov s6  }
0xbb: {  	s5 =	sadd.s32 $0x20, s19;
	v15 =	vld [tilespmem:s4+$0xFFFFF810];
	s6 =	sand.u32 $0x3E0, s21;
	v20 =	vsel vm9, v10, v7;
	vm8 =	vlt.s32 v4, v2  }
0xbc: {  	vm7 =	vlt.s32 v4, v1;
	vm6 =	vlt.s32 v4, v0;
	v4 =	vld [tilespmem:s6+$0x10800];
	[tilespmem:s5+$0xFFFFF800] =	vst v3;
	v3 =	vsel vm10, v8, v20  }
0xbd: {  	[tilespmem:s19+$0xFFFFF810] =	vst v5;
	v20 =	vld [tilespmem:s4+$0xFFFFFC00];
	v3 =	vsel vm11, v10, v3  }
0xbe: {  	s17 =	simm.s32 $0x10040;
	v22 =	vsel vm3, v6, v9;
	v21 =	vld [tilespmem:s18+$0xFFFFFC10];
	v5 =	vadd.f32 v19, v3  }
0xbf: {  	v26 =	vsel vm3, v16, v18;
	v22 =	vsel vm4, v11, v22;
	v3 =	vld [tilespmem:s17+$0x0];
	v19 =	vsel vm3, v14, v12  }
0xc0: {  	v23 =	vsel vm9, v6, v9;
	v9 =	vsel vm8, v6, v9;
	v19 =	vsel vm4, v17, v19;
	[tilespmem:s19+$0x0] =	vst v5;
	v5 =	vld [tilespmem:s6+$0x10400]  }
0xc1: {  	v22 =	vsel vm5, v6, v22;
	v9 =	vsel vm7, v11, v9;
	v19 =	vsel vm5, v14, v19;
	s6 =	sadd.s32 $0x20, s4;
	v24 =	vld [tilespmem:s18+$0x400]  }
0xc2: {  	v19 =	vadd.f32 v19, v20;
	v20 =	vsel vm10, v11, v23;
	v23 =	vsel vm0, v16, v18;
	v25 =	vld [tilespmem:s6+$0xFFFFF800]  }
0xc3: {  	v21 =	vadd.f32 v22, v21;
	v22 =	vld [tilespmem:s17+$0x410];
	v20 =	vsel vm11, v6, v20;
	v11 =	vsel vm1, v13, v23  }
0xc4: {  	v23 =	vld [tilespmem:s17+$0x10];
	v6 =	vsel vm6, v6, v9;
	[tilespmem:s5+$0xFFFFFC00] =	vst v19;
	v9 =	vsel vm2, v16, v11;
	v11 =	vsel vm0, v3, v4  }
0xc5: {  	v27 =	vsel vm9, v14, v12;
	v19 =	vld [tilespmem:s4+$0x0];
	v9 =	vadd.f32 v9, v15;
	v11 =	vsel vm1, v5, v11  }
0xc6: {  	v28 =	vsel vm9, v16, v18;
	v18 =	vsel vm8, v16, v18;
	v15 =	vld [tilespmem:s17+$0x810];
	v11 =	vsel vm2, v3, v11  }
0xc7: {  	v29 =	vld [tilespmem:s6+$0xFFFFF810];
	[tilespmem:s5+$0xFFFFF810] =	vst v9;
	v9 =	vadd.f32 v11, v25;
	v11 =	vsel vm10, v17, v27;
	v25 =	vsel vm4, v13, v26  }
0xc8: {  	s7 =	sadd.s32 $0x20, s5;
	[tilespmem:s19+$0xFFFFFC10] =	vst v21;
	v21 =	vld [tilespmem:s4+$0xFFFFFC10];
	v26 =	vsel vm10, v13, v28;
	v13 =	vsel vm7, v13, v18;
	v18 =	vsel vm8, v10, v7  }
0xc9: {  	v27 =	vld [tilespmem:s18+$0x10];
	v11 =	vsel vm11, v14, v11;
	v25 =	vsel vm5, v16, v25;
	v7 =	vsel vm6, v16, v13;
	[tilespmem:s7+$0xFFFFF800] =	vst v9  }
0xca: {  	s15 =	simm.s32 $0x60;
	s12 =	simm.s32 $0x10060;
	v13 =	vsel vm7, v8, v18;
	v11 =	vadd.f32 v19, v11;
	v9 =	vsel vm11, v16, v26;
	v19 =	vld [tilespmem:s6+$0xFFFFFC00]  }
0xcb: {  	s26 =	sand.u32 $0x3E0, s15;
	v8 =	vld [tilespmem:s12+$0x0];
	v16 =	vsel vm0, v23, v15;
	v10 =	vsel vm6, v10, v13;
	v13 =	vsel vm3, v3, v4  }
0xcc: {  	[tilespmem:s5+$0x0] =	vst v11;
	v11 =	vsel vm1, v22, v16;
	v16 =	vsel vm4, v5, v13;
	v13 =	vld [tilespmem:s26+$0x10400]  }
0xcd: {  	v24 =	vadd.f32 v24, v10;
	v10 =	vsel vm2, v23, v11;
	v11 =	vld [tilespmem:s26+$0x10800]  }
0xce: {  	s10 =	sadd.s32 $0x20, s6;
	v26 =	vsel vm3, v23, v15;
	v18 =	vld [tilespmem:s4+$0x400];
	v60 =	vadd.f32 v10, v29;
	v10 =	vsel vm5, v3, v16  }
0xcf: {  	v21 =	vadd.f32 v25, v21;
	v25 =	vld [tilespmem:s10+$0xFFFFF800];
	v16 =	vsel vm9, v23, v15;
	v19 =	vadd.f32 v10, v19  }
0xd0: {  	v61 =	vsel vm8, v23, v15;
	v15 =	vsel vm4, v22, v26;
	v26 =	vld [tilespmem:s12+$0x810];
	v16 =	vsel vm10, v22, v16  }
0xd1: {  	v15 =	vsel vm5, v23, v15;
	v22 =	vsel vm7, v22, v61;
	v10 =	vld [tilespmem:s12+$0x10];
	v16 =	vsel vm11, v23, v16;
	[tilespmem:s7+$0xFFFFFC00] =	vst v19  }
0xd2: {  	v19 =	vadd.f32 v27, v20;
	v20 =	vsel vm8, v14, v12;
	v27 =	vsel vm0, v8, v11;
	v62 =	vld [tilespmem:s6+$0x0]  }
0xd3: {  	[tilespmem:s7+$0xFFFFF810] =	vst v60;
	v12 =	vsel vm6, v23, v22;
	v20 =	vsel vm7, v17, v20;
	v22 =	vsel vm1, v13, v27;
	v17 =	vld [tilespmem:s12+$0x410]  }
0xd4: {  	[tilespmem:s5+$0xFFFFFC10] =	vst v21;
	v21 =	vld [tilespmem:s6+$0xFFFFFC10];
	v23 =	vsel vm9, v3, v4;
	v14 =	vsel vm6, v14, v20;
	v22 =	vsel vm2, v8, v22  }
0xd5: {  	[tilespmem:s19+$0x400] =	vst v24;
	v20 =	vld [tilespmem:s10+$0xFFFFF810];
	v24 =	vadd.f32 v18, v14;
	v14 =	vadd.f32 v22, v25;
	v18 =	vsel vm10, v5, v23  }
0xd6: {  	s12 =	sadd.s32 $0x20, s7;
	[tilespmem:s19+$0x10] =	vst v19;
	v19 =	vld [tilespmem:s4+$0x10];
	v25 =	vsel vm0, v10, v26;
	v27 =	vsel vm3, v10, v26;
	v22 =	vsel vm11, v3, v18  }
0xd7: {  	s29 =	simm.s32 $0x10080;
	v63 =	vsel vm9, v10, v26;
	v18 =	vsel vm8, v10, v26;
	[tilespmem:s12+$0xFFFFF800] =	vst v14;
	v14 =	vld [tilespmem:s18+$0x410];
	v22 =	vadd.f32 v62, v22  }
0xd8: {  	s28 =	smov.u32 s10;
	s17 =	simm.s32 $0x6;
	s26 =	smov.u32 s19;
	[tilespmem:s5+$0x400] =	vst v24;
	v23 =	vld [tilespmem:s10+$0xFFFFFC00];
	v26 =	vsel vm1, v17, v25;
	v25 =	vsel vm4, v17, v27;
	v24 =	vsel vm10, v17, v63  }
.LBB2_8:
0xd9: {  	v27 =	vld [tilespmem:s29+$0x0];
	v26 =	vsel vm2, v10, v26;
	v25 =	vsel vm5, v10, v25;
	v24 =	vsel vm11, v10, v24;
	s15 =	sadd.s32 $0x20, s15;
	[tilespmem:s7+$0x0] =	vst v22  }
0xda: {  	s17 =	sadd.s32 $0x2, s17;
	v22 =	vsel vm3, v8, v11;
	s21 =	sand.u32 $0x3E0, s15;
	v20 =	vadd.f32 v26, v20;
	v26 =	vld [tilespmem:s6+$0x400];
	v21 =	vadd.f32 v15, v21;
	v15 =	vmovc v25  }
0xdb: {  	v17 =	vsel vm7, v17, v18;
	p0 =	slt.u32 s17, $0x3E;
	v22 =	vsel vm4, v13, v22;
	v25 =	vld [tilespmem:s21+$0x10800];
	v18 =	vadd.f32 v19, v9;
	v9 =	vmovc v16  }
0xdc: {  	v28 =	vsel vm8, v3, v4;
	v17 =	vsel vm6, v10, v17;
	v22 =	vsel vm5, v8, v22;
	v19 =	vld [tilespmem:s21+$0x10400];
	[tilespmem:s12+$0xFFFFF810] =	vst v20  }
0xdd: {  	s10 =	sadd.s32 $0x20, s10;
	v14 =	vadd.f32 v14, v6;
	v10 =	vld [tilespmem:s29+$0x10];
	v20 =	vadd.f32 v22, v23;
	v22 =	vsel vm7, v5, v28;
	[tilespmem:s7+$0xFFFFFC10] =	vst v21  }
0xde: {  	v4 =	vmovc v11;
	v16 =	vmovc v24;
	v21 =	vld [tilespmem:s10+$0xFFFFF800];
	v22 =	vsel vm6, v3, v22;
	[tilespmem:s5+$0x10] =	vst v18;
	v3 =	vmov v8;
	v8 =	vmov v27  }
0xdf: {  	v6 =	vmovc v7;
	v7 =	vmovc v12;
	v12 =	vmov v17;
	v5 =	vmov v13;
	v18 =	vld [tilespmem:s29+$0x810];
	[tilespmem:s12+$0xFFFFFC00] =	vst v20;
	v20 =	vadd.f32 v26, v22  }
0xe0: {  	v23 =	vsel vm0, v8, v25;
	v22 =	vld [tilespmem:s28+$0x0];
	[tilespmem:s26+$0x410] =	vst v14;
	v11 =	vmov v25;
	s26 =	smov.u32 s5;
	s5 =	smov.u32 s7;
	s7 =	smov.u32 s12  }
0xe1: {  	v14 =	vsel vm1, v19, v23;
	v17 =	vld [tilespmem:s29+$0x410];
	[tilespmem:s5+$0x400] =	vst v20;
	v13 =	vmov v19  }
.Ltmp4:
0xe2: {  	v19 =	vsel vm9, v3, v4;
	v14 =	vsel vm2, v8, v14;
	v20 =	vld [tilespmem:s10+$0xFFFFF810];
	(pc) =	sbr.rel @p0 .LBB2_8-.Ltmp4, $4  }
0xe3: {  	v19 =	vsel vm10, v5, v19;
	v14 =	vadd.f32 v14, v21;
	v21 =	vld [tilespmem:s28+$0xFFFFFC10]  }
0xe4: {  	s12 =	sadd.s32 $0x20, s12;
	v23 =	vsel vm11, v3, v19;
	v24 =	vsel vm0, v10, v18;
	v25 =	vsel vm3, v10, v18;
	v19 =	vld [tilespmem:s6+$0x10]  }
0xe5: {  	v27 =	vsel vm9, v10, v18;
	v18 =	vsel vm8, v10, v18;
	[tilespmem:s12+$0xFFFFF800] =	vst v14;
	v22 =	vadd.f32 v22, v23;
	v14 =	vld [tilespmem:s4+$0x410];
	s4 =	smov.u32 s6;
	s6 =	smov.u32 s28;
	s28 =	smov.u32 s10  }
0xe6: {  	s29 =	sadd.s32 $0x20, s29;
	v23 =	vld [tilespmem:s10+$0xFFFFFC00];
	v26 =	vsel vm1, v17, v24;
	v25 =	vsel vm4, v17, v25;
	v24 =	vsel vm10, v17, v27  }
0xe7: {  	v26 =	vsel vm2, v10, v26  }
0xe8: {  	v20 =	vadd.f32 v26, v20;
	_ =	sdelay $0x1  }
0xe9: {  	[tilespmem:s12+$0xFFFFF810] =	vst v20  }
0xea: {  	v43 =	vsel vm3, v8, v11;
	v44 =	vld [tilespmem:s28+$0xFFFFFC10]  }
0xeb: {  	v20 =	vsel vm4, v13, v43  }
0xec: {  	v20 =	vsel vm5, v8, v20  }
0xed: {  	v20 =	vadd.f32 v20, v23  }
0xee: {  	v45 =	vsel vm5, v10, v25;
	v15 =	vadd.f32 v15, v21  }
0xef: {  	[tilespmem:s12+$0xFFFFFC00] =	vst v20;
	v46 =	vadd.f32 v45, v44  }
0xf0: {  	[tilespmem:s7+$0xFFFFFC10] =	vst v15;
	v47 =	vld [tilespmem:s28+$0x0]  }
0xf1: {  	v48 =	vld [tilespmem:s6+$0x10];
	[tilespmem:s12+$0xFFFFFC10] =	vst v46  }
0xf2: {  	v49 =	vsel vm9, v8, v11;
	v50 =	vld [tilespmem:s28+$0x10]  }
0xf3: {  	v20 =	vsel vm10, v13, v49  }
0xf4: {  	v9 =	vadd.f32 v19, v9;
	v51 =	vsel vm11, v8, v20  }
0xf5: {  	[tilespmem:s7+$0x0] =	vst v22;
	v15 =	vadd.f32 v47, v51  }
0xf6: {  	v52 =	vsel vm11, v10, v24;
	v53 =	vld [tilespmem:s6+$0x400];
	[tilespmem:s5+$0x10] =	vst v9;
	v54 =	vadd.f32 v48, v16  }
0xf7: {  	v55 =	vld [tilespmem:s4+$0x410];
	[tilespmem:s12+$0x0] =	vst v15;
	v56 =	vadd.f32 v50, v52  }
0xf8: {  	v4 =	vsel vm8, v3, v4;
	[tilespmem:s7+$0x10] =	vst v54;
	v57 =	vld [tilespmem:s28+$0x400]  }
0xf9: {  	v4 =	vsel vm7, v5, v4;
	v58 =	vld [tilespmem:s6+$0x410];
	[tilespmem:s12+$0x10] =	vst v56  }
0xfa: {  	v59 =	vsel vm8, v8, v11;
	v3 =	vsel vm6, v3, v4;
	v6 =	vadd.f32 v14, v6;
	v60 =	vld [tilespmem:s28+$0x410]  }
0xfb: {  	s20 =	sadd.s32 $0x1, s20;
	v4 =	vsel vm7, v13, v59;
	v3 =	vadd.f32 v53, v3  }
0xfc: {  	p0 =	sne.s32 s20, $0x4;
	v4 =	vsel vm6, v8, v4;
	[tilespmem:s26+$0x410] =	vst v6;
	v61 =	vadd.f32 v55, v7  }
.Ltmp5:
0xfd: {  	v62 =	vsel vm7, v17, v18;
	[tilespmem:s7+$0x400] =	vst v3;
	v3 =	vadd.f32 v57, v4;
	(pc) =	sbr.rel @p0 .LBB2_7-.Ltmp5, $4  }
0xfe: {  	v63 =	vsel vm6, v10, v62;
	[tilespmem:s5+$0x410] =	vst v61;
	v5 =	vadd.f32 v58, v12  }
0xff: {  	[tilespmem:s12+$0x400] =	vst v3;
	v3 =	vadd.f32 v60, v63  }
0x100: {  	[tilespmem:s7+$0x410] =	vst v5  }
0x101: {  	s18 =	sadd.s32 $0x1000, s18;
	s19 =	sadd.s32 $0x1000, s19;
	[tilespmem:s12+$0x410] =	vst v3  }
.Ltmp6:
0x102: {  	(pc) =	sbr.rel @p1 .LBB2_12-.Ltmp6, $4  }
0x103: {  	s0 =	sshll.u32 s0, $0x7  }
0x104: {  	s0 =	sand.u32 $0x1FFFF800, s0  }
0x105: {  	s0 =	sadd.s32 s8, s0  }
0x106: {  	[hbm4b:s0+s2] =	stream.linear.scatter [tilespmem:s25], [sflag:$0x4], $0x4000, $0x38;
	[tilespmem:$0x10D80] =	vst v63  }
.Ltmp7:
0x107: {  	s0 =	sadd.s32 s31, s14;
	(pc) =	sbr.rel .LBB2_2-.Ltmp7, $4  }
0x108: {  	s0 =	sshll.u32 s0, $0x7  }
0x109: {  	s0 =	sand.u32 $0x1FFFF800, s0  }
0x10a: {  	s3 =	simm.s32 $0x4000;
	s30 =	sadd.s32 $0x1, s30;
	s0 =	sadd.s32 s1, s0  }
0x10b: {  	[tilespmem:s3], [sflag:$0x2] =	stream.linear.gather [hbm4b:s0+s2], $0x4000, $0x38;
	[tilespmem:$0x10D80] =	vst v63  }
.LBB2_13:
0x10c: {  	_ =	sfence.sel $0x180000  }
0x10d: {  	[bflag:$0x0] =	sbarrier.arrive $0xFFFF  }
0x10e: {  	_ =	strace $0x9000004A  }
0x10f: {  	s0 =	stileid.u32;
	[bflag:$0x2] =	sbarrier.arrive $0xFFFF  }
0x110: {  	p0 =	sne.s32 s0, $0x0;
	s0 =	rddreg [dreg:$0x2]  }
0x111: {  	s0 =	sadd.s32 @!p0 $0x100000, s0  }
0x112: {  	[sflag:s0] =	ssyncadd.tile.s32 @!p0 $0x1;
	_ =	shalt  }
.Lfunc_end2:
_tile_overlayer_lowered:
.L_overlay_start_2:
0x113: {  	(tag) =	ssettag $0x2  }
0x114: {  	s0 =	rddreg [dreg:$0x0];
	s2 =	stileid.u32  }
0x115: {  	s1 =	rddreg [dreg:$0x1];
	p0 =	sne.s32 s2, $0x0  }
0x116: {  	s3 =	rddreg [dreg:$0x2];
	[bflag:$0x3] =	sbarrier.arrive $0xFFFF;
	s2 =	simm.s32 @!p0 $0x1C05  }
0x117: {  	[timem:s3], [sflag:s2] =	dma.local @!p0 [hbm:s0], s1  }
0x118: {  	s0 =	simm.s32 @!p0 $0x5  }
0x119: {  	_ =	swait.ge @!p0 [sflag:s0], s1  }
0x11a: {  	s1 =	ssub.s32 @!p0 $0x0, s1;
	[sflag:s0] =	ssyncset.done @!p0 $0x0  }
0x11b: {  	[sflag:s0] =	ssyncadd.s32 @!p0 s1  }
0x11c: {  	[bflag:$0x3] =	sbarrier.arrive $0xFFFF  }
0x11d: {  	_ =	shalt  }

// kernel: sparse-core-data-format-call.cloned.1.call-start
scs
called_computation_lowered:
.L_overlay_start_0:
0x0: {  	s2 =	sld [smem:$0x3FD9]  }
0x1: {  	s3 =	sld [smem:$0x3FFE];
	_ =	sdelay $0x1  }
0x2: {  	s1 =	srdreg.scid  }
0x3: {  	s0 =	sand.u32 $0x1, s1  }
0x4: {  	s19 =	sshll.u32 s0, $0xA;
	s2 =	sadd.s32 s3, s2  }
0x5: {  	s2 =	sadd.s32 s2, s19  }
0x6: {  	[smem:$0x3FC2] =	sst s2  }
0x7: {  	_ = 	snop  }
0x8: {  	s2 =	sld [smem:$0x3FC9]  }
0x9: {  	s20 =	sld [smem:$0x3FD0];
	(tm) =	ssettm $0x1  }
0xa: {  	s4 =	sld [smem:$0x3FFB];
	_ =	sdelay $0x3  }
0xb: {  	_ =	strace s4  }
0xc: {  	s4 =	sld [smem:$0x3FFC];
	_ =	sdelay $0x3  }
0xd: {  	_ =	strace s4  }
0xe: {  	s4 =	sld [smem:$0x3FFD];
	_ =	sdelay $0x3  }
0xf: {  	_ =	strace s4  }
0x10: {  	_ =	strace $0x8FFFFFFF  }
0x11: {  	s21 =	sld [smem:$0x3FDB];
	_ =	sdelay $0x1  }
0x12: {  	s5 =	simm.s32 $_scs_section_size  }
0x13: {  	s6 =	simm.s32 $_size__tile_overlayer_lowered;
	s7 =	simm.s32 $_tile_overlayer_lowered  }
0x14: {  	s24 =	simm.s32 $0x1BFF;
	s23 =	sshll.u32 s7, $0x1;
	s4 =	sadd.s32 s5, s21  }
0x15: {  	s8 =	simm.s32 $0x0;
	s22 =	sshll.u32 s6, $0x1;
	s6 =	sadd.s32 s23, s4  }
0x16: {  	[timem:s8], [sflag:s24] =	dma.local [hbm:s6], s22  }
0x17: {  	_ =	swait.ge [sflag:s24], s22  }
0x18: {  	s5 =	ssub.s32 $0x0, s22;
	[sflag:s24] =	ssyncset.done $0x0  }
0x19: {  	[sflag:s24] =	ssyncadd.s32 s5;
	_ =	sdelay $0x1  }
0x1a: {  	s25 =	simm.s32 $0x1B8B  }
0x1b: {  	_ =	swait.ge [sflag:s25], $0x1  }
0x1c: {  	[sflag:s25] =	ssyncset.done $0x0  }
0x1d: {  	s26 =	simm.s32 $0x1B8E;
	[sflag:s25] =	ssyncadd.s32 $0xFFFFFFFF  }
0x1e: {  	s27 =	simm.s32 $execute0_lowered;
	[smem:$0x3FD2] =	sst s26  }
0x1f: {  	s5 =	sshll.u32 s27, $0x1;
	_ =	strace $0x80000046;
	[dreg:$0x1] =	wrdreg $0xFFFFFFFF  }
0x20: {  	s28 =	simm.s32 $_size_execute0_lowered;
	s4 =	sadd.s32 s4, s5;
	[dreg:$0x0] =	wrdreg $0x0  }
0x21: {  	s5 =	sshll.u32 s28, $0x1;
	[dreg:$0x2] =	wrdreg s4  }
0x22: {  	[dreg:$0x3] =	wrdreg s5  }
0x23: {  	[dreg:$0x4] =	wrdreg $0xC0  }
0x24: {  	_ =	task [dreg:s8], $0x5FFFF  }
0x25: {  	[dreg:$0x1] =	wrdreg $0xFFFFFFFF  }
0x26: {  	[dreg:$0x0] =	wrdreg $0x60  }
0x27: {  	[dreg:$0x2] =	wrdreg s2  }
0x28: {  	[dreg:$0x3] =	wrdreg s20  }
0x29: {  	[dreg:$0x4] =	wrdreg $0x9  }
0x2a: {  	_ =	task.clear_ibuf [dreg:s8], $0x5FFFF;
	_ =	strace $0x90000046  }
0x2b: {  	s29 =	simm.s32 $0x9;
	_ =	strace $0x80000048  }
0x2c: {  	_ =	swait.ge [sflag:s29], $0x1  }
0x2d: {  	[sflag:s29] =	ssyncadd.s32 $0xFFFFFFFF  }
0x2e: {  	_ =	strace $0x90000048  }
0x2f: {  	_ =	sfence  }
0x30: {  	s30 =	sld [smem:$0x0];
	_ =	sdelay $0x2  }
0x31: {  	s31 =	sshll.u32 s1, $0xD;
	s1 =	sshrl.u32 s1, $0x2  }
0x32: {  	s3 =	sand.u32 $0x4000, s31;
	s1 =	sadd.s32 s1, s30  }
0x33: {  	s0 =	sor.u32 s3, s0;
	s1 =	sshll.u32 s1, $0x11  }
0x34: {  	s0 =	sor.u32 s1, s0  }
0x35: {  	s0 =	sadd.s32 $0x8F2B, s0  }
0x36: {  	[sflag:s0] =	ssyncadd.remote.s32 $0x1  }
0x37: {  	_ =	sfence.sel $0xFFFF  }
0x38: {  	[dreg:$0x0] =	wrdreg $0xFFFFFFFF;
	(pc) =	sbr.abs _section_cstart, $3  }
0x39: {  	[dreg:$0x1] =	wrdreg $0xFFFFFFFF  }
0x3a: {  	_ =	task.clear_ibuf [dreg:s8], $0x2FFFF;
	_ =	strace $0x9FFFFFFF  }
0x3b: {  	(tm) =	ssettm $0x7FFFFFFF  }
tec
execute0_lowered:
.L_overlay_start_1:
0x0: {  	(tag) =	ssettag $0x1  }
0x1: {  	s0 =	srdreg.scid  }
0x2: {  	s1 =	sshll.u32 s0, $0x4  }
0x3: {  	s2 =	rddreg [dreg:$0x0];
	s0 =	stileid.u32;
	s1 =	sand.u32 $0x10, s1  }
0x4: {  	s4 =	rddreg [dreg:$0x1];
	s1 =	sor.u32 s0, s1  }
0x5: {  	s7 =	simm.s32 $0x1;
	s8 =	simm.s32 $0x2;
	s3 =	sshll.u32 s1, $0x1  }
0x6: {  	s9 =	simm.s32 $0x0;
	s12 =	simm.s32 $0x0;
	s6 =	ssub.s32 $0x400, s3  }
.Ltmp0:
0x7: {  	s11 =	simm.s32 $0x0;
	s5 =	sand.u32 $0x3E, s6;
	(pc) =	sbr.rel .LBB1_1-.Ltmp0, $4  }
0x8: {  	s1 =	rddreg [dreg:$0x2];
	_ =	strace $0x80000047;
	p0 =	sne.s32 s5, $0x0  }
0x9: {  	s6 =	sshrl.u32 s6, $0x6;
	s5 =	simm.s32 $0x1;
	s7 =	simm.s32 @!p0 $0x0  }
0xa: {  	s10 =	smov.u32 s3;
	[sflag:s5] =	ssyncpa.u1 $0x0;
	s6 =	sadd.s32 s7, s6  }
0xb: {  	[sflag:s8] =	ssyncpa.u1 $0x0;
	s8 =	simm.s32 $0x0;
	s7 =	sadd.s32 $0x1, s6  }
.LBB1_9:
0xc: {  	s14 =	sadd.s32 $0x40, s10  }
0xd: {  	p1 =	sgt.s32 s14, $0x3FF  }
0xe: {  	s14 =	smov.u32 @p1 s3;
	p1 =	sne.s32 s11, s7  }
.Ltmp1:
0xf: {  	p0 =	slt.u32 s11, $0x2;
	(pc) =	sbr.rel @!p1 .LBB1_10-.Ltmp1, $4  }
0x10: {  	s13 =	simm.s32 @!p0 $0x2  }
0x11: {  	s15 =	sadd.s32 $0x1, s11;
	_ =	swait.ge @!p0 [sflag:s13], $0x4000  }
0x12: {  	s12 =	smov.u32 s10;
	s9 =	sadd.s32 $0x4000, s9;
	[sflag:s13] =	ssyncset.done @!p0 $0x0  }
0x13: {  	s11 =	smov.u32 s15;
	s10 =	smov.u32 s14;
	[sflag:s13] =	ssyncadd.s32 @!p0 $0xFFFFC000  }
.LBB1_1:
0x14: {  	p0 =	sge.u32 s11, s6  }
0x15: {  	s13 =	sxor.u32 @!p0 $0xFFFFFFFF, s11  }
0x16: {  	s31 =	sadd.s32 $0xFFFFFFFF, s11;
	s14 =	sshll.u32 @!p0 s10, $0xA;
	s13 =	sshll.u32 @!p0 s13, $0xE  }
0x17: {  	s15 =	simm.s32 @!p0 $0x0;
	s14 =	sadd.s32 @!p0 s2, s14;
	s13 =	sand.u32 @!p0 $0x4000, s13  }
0x18: {  	[tilespmem:s13], [sflag:$0x1] =	stream.linear.gather @!p0 [hbm4b:s14+s15], $0x4000, $0x38;
	[tilespmem:$0x10000] =	vst v63  }
0x19: {  	p0 =	sge.u32 s31, s6  }
.Ltmp2:
0x1a: {  	_ = 	snop;
	(pc) =	sbr.rel @p0 .LBB1_9-.Ltmp2, $1  }
0x1b: {  	_ =	sdelay $0x3  }
0x1c: {  	s13 =	sshll.u32 s9, $0x2  }
0x1d: {  	_ =	swait.ge [sflag:s5], $0x4000;
	s14 =	sshll.u32 s11, $0xE;
	s16 =	simm.s32 $0x0  }
0x1e: {  	p1 =	por $0x1, $0x1;
	s13 =	sand.u32 $0x10000, s13;
	[sflag:s5] =	ssyncset.done $0x0  }
0x1f: {  	s14 =	sand.u32 $0x4000, s14;
	s15 =	sshrl.u32 s13, $0x2;
	[sflag:s5] =	ssyncadd.s32 $0xFFFFC000  }
0x20: {  	s13 =	sor.u32 $0x8000, s14;
	s14 =	sadd.s32 $0x8040, s15;
	s15 =	sadd.s32 $0x40, s15  }
.LBB1_3:
0x21: {  	s16 =	sshll.u32 s16, $0x2  }
0x22: {  	p0 =	por p1, p1;
	s17 =	sshra.s32 s16, $0x2  }
0x23: {  	s18 =	simm.s32 $0x0;
	s16 =	sadd.s32 s17, s14;
	s17 =	sadd.s32 s17, s15  }
.LBB1_4:
0x24: {  	v0 =	vmov s17;
	_ =	sdelay $0x3  }
0x25: {  	s20 =	simm.s32 $0x0  }
0x26: {  	v6 =	vld.idx.msk [tilespmem:v0+s20+$0x30 ss:$0x1], $0xffff  }
0x27: {  	v7 =	vld.idx.msk [tilespmem:v0+s20+$0xFFFFFFC0 ss:$0x1], $0xffff  }
0x28: {  	v5 =	vld.idx.msk [tilespmem:v0+s20+$0xFFFFFFD0 ss:$0x1], $0xffff  }
0x29: {  	v4 =	vld.idx.msk [tilespmem:v0+s20+$0xFFFFFFE0 ss:$0x1], $0xffff  }
0x2a: {  	v3 =	vld.idx.msk [tilespmem:v0+s20+$0xFFFFFFF0 ss:$0x1], $0xffff  }
0x2b: {  	v1 =	vld.idx.msk [tilespmem:v0+s20+$0x0 ss:$0x1], $0xffff  }
0x2c: {  	v2 =	vld.idx.msk [tilespmem:v0+s20+$0x10 ss:$0x1], $0xffff;
	[tilespmem:s16+$0x30] =	vst v6  }
0x2d: {  	s19 =	simm.s32 $0x80;
	s21 =	simm.s32 $0x400;
	[tilespmem:s16+$0xFFFFFFC0] =	vst v7;
	v6 =	vld.idx.msk [tilespmem:v0+s20+$0x20 ss:$0x1], $0xffff;
	s20 =	smov.u32 s16  }
.LBB1_5:
0x2e: {  	p1 =	sne.s32 s21, $0xE00;
	v7 =	vld.idx.msk [tilespmem:v0+s19+$0x30 ss:$0x1], $0xffff;
	[tilespmem:s20+$0xFFFFFFD0] =	vst v5  }
0x2f: {  	v8 =	vld.idx.msk [tilespmem:v0+s19+$0xFFFFFFC0 ss:$0x1], $0xffff;
	[tilespmem:s20+$0xFFFFFFE0] =	vst v4  }
0x30: {  	v5 =	vld.idx.msk [tilespmem:v0+s19+$0xFFFFFFD0 ss:$0x1], $0xffff;
	[tilespmem:s20+$0xFFFFFFF0] =	vst v3  }
.Ltmp3:
0x31: {  	v4 =	vld.idx.msk [tilespmem:v0+s19+$0xFFFFFFE0 ss:$0x1], $0xffff;
	[tilespmem:s20+$0x0] =	vst v1;
	(pc) =	sbr.rel @p1 .LBB1_5-.Ltmp3, $4  }
0x32: {  	v3 =	vld.idx.msk [tilespmem:v0+s19+$0xFFFFFFF0 ss:$0x1], $0xffff;
	[tilespmem:s20+$0x10] =	vst v2  }
0x33: {  	v1 =	vld.idx.msk [tilespmem:v0+s19+$0x0 ss:$0x1], $0xffff;
	[tilespmem:s20+$0x20] =	vst v6;
	s20 =	sadd.s32 $0x400, s20  }
0x34: {  	v2 =	vld.idx.msk [tilespmem:v0+s19+$0x10 ss:$0x1], $0xffff;
	[tilespmem:s20+$0x30] =	vst v7  }
0x35: {  	[tilespmem:s20+$0xFFFFFFC0] =	vst v8;
	v6 =	vld.idx.msk [tilespmem:v0+s19+$0x20 ss:$0x1], $0xffff;
	s19 =	sshra.s32 s21, $0x2;
	s21 =	sadd.s32 $0x200, s21  }
0x36: {  	_ =	sdelay $0x2  }
0x37: {  	[tilespmem:s20+$0xFFFFFFD0] =	vst v5  }
0x38: {  	v56 =	vld.idx.msk [tilespmem:v0+s19+$0x30 ss:$0x1], $0xffff;
	[tilespmem:s20+$0xFFFFFFE0] =	vst v4  }
0x39: {  	v57 =	vld.idx.msk [tilespmem:v0+s19+$0xFFFFFFC0 ss:$0x1], $0xffff;
	[tilespmem:s20+$0xFFFFFFF0] =	vst v3  }
0x3a: {  	v58 =	vld.idx.msk [tilespmem:v0+s19+$0xFFFFFFD0 ss:$0x1], $0xffff;
	[tilespmem:s20+$0x0] =	vst v1  }
0x3b: {  	v59 =	vld.idx.msk [tilespmem:v0+s19+$0xFFFFFFE0 ss:$0x1], $0xffff;
	[tilespmem:s20+$0x10] =	vst v2  }
0x3c: {  	v60 =	vld.idx.msk [tilespmem:v0+s19+$0xFFFFFFF0 ss:$0x1], $0xffff;
	s31 =	sadd.s32 $0x400, s20;
	[tilespmem:s20+$0x20] =	vst v6  }
0x3d: {  	v61 =	vld.idx.msk [tilespmem:v0+s19+$0x0 ss:$0x1], $0xffff;
	[tilespmem:s31+$0x30] =	vst v56  }
0x3e: {  	v62 =	vld.idx.msk [tilespmem:v0+s19+$0x10 ss:$0x1], $0xffff;
	s18 =	sadd.s32 $0x1, s18;
	[tilespmem:s31+$0xFFFFFFC0] =	vst v57  }
0x3f: {  	v63 =	vld.idx.msk [tilespmem:v0+s19+$0x20 ss:$0x1], $0xffff;
	p1 =	sne.s32 s18, $0x8;
	[tilespmem:s31+$0xFFFFFFD0] =	vst v58  }
.Ltmp4:
0x40: {  	[tilespmem:s31+$0xFFFFFFE0] =	vst v59;
	(pc) =	sbr.rel @p1 .LBB1_4-.Ltmp4, $4  }
0x41: {  	[tilespmem:s31+$0xFFFFFFF0] =	vst v60  }
0x42: {  	[tilespmem:s31+$0x0] =	vst v61  }
0x43: {  	[tilespmem:s31+$0x10] =	vst v62  }
0x44: {  	s16 =	sadd.s32 $0x80, s16;
	s17 =	sadd.s32 $0x400, s17;
	[tilespmem:s31+$0x20] =	vst v63  }
.Ltmp5:
0x45: {  	(pc) =	sbr.rel @p0 .LBB1_3-.Ltmp5, $2  }
0x46: {  	_ =	sdelay $0x2  }
0x47: {  	s16 =	simm.s32 $0x2000;
	p1 =	por $0x0, $0x0  }
.Ltmp6:
0x48: {  	(pc) =	sbr.rel .LBB1_9-.Ltmp6, $4  }
0x49: {  	_ = 	snop  }
0x4a: {  	s12 =	sshll.u32 s12, $0xA  }
0x4b: {  	s12 =	sadd.s32 s4, s12  }
0x4c: {  	[hbm4b:s12+s8] =	stream.linear.scatter [tilespmem:s13], [sflag:$0x2], $0x4000, $0x38;
	[tilespmem:$0x10000] =	vst v63  }
.LBB1_10:
0x4d: {  	_ =	sfence.sel $0x180000  }
0x4e: {  	s2 =	simm.s32 $0x1;
	[bflag:$0x0] =	sbarrier.arrive $0xFFFF  }
0x4f: {  	s31 =	simm.s32 $0x2;
	[sflag:s2] =	ssyncpa.u1 $0x1  }
0x50: {  	[sflag:s31] =	ssyncpa.u1 $0x1  }
0x51: {  	p0 =	sne.s32 s0, $0x0;
	_ =	strace $0x90000047  }
0x52: {  	s0 =	sadd.s32 @!p0 $0x100000, s1;
	[bflag:$0x2] =	sbarrier.arrive $0xFFFF  }
0x53: {  	[sflag:s0] =	ssyncadd.tile.s32 @!p0 $0x1;
	_ =	shalt  }
.Lfunc_end1:
_tile_overlayer_lowered:
.L_overlay_start_2:
0x54: {  	(tag) =	ssettag $0x2  }
0x55: {  	s0 =	rddreg [dreg:$0x0];
	s2 =	stileid.u32  }
0x56: {  	s1 =	rddreg [dreg:$0x1];
	p0 =	sne.s32 s2, $0x0  }
0x57: {  	s3 =	rddreg [dreg:$0x2];
	[bflag:$0x3] =	sbarrier.arrive $0xFFFF;
	s2 =	simm.s32 @!p0 $0x1C01  }
0x58: {  	[timem:s3], [sflag:s2] =	dma.local @!p0 [hbm:s0], s1  }
0x59: {  	s0 =	simm.s32 @!p0 $0x1  }
0x5a: {  	_ =	swait.ge @!p0 [sflag:s0], s1  }
0x5b: {  	s1 =	ssub.s32 @!p0 $0x0, s1;
	[sflag:s0] =	ssyncset.done @!p0 $0x0  }
0x5c: {  	[sflag:s0] =	ssyncadd.s32 @!p0 s1  }
0x5d: {  	[bflag:$0x3] =	sbarrier.arrive $0xFFFF  }
0x5e: {  	_ =	shalt  }

</sc_bundles>
